<compile_context>
chip_gen: v7x
topology: tpu7x:2x2x1
jax: 0.10.2.dev20260603
libtpu: 0.0.44.dev20260713+nightly
codegen_flags: <defaults>
</compile_context>

<pallas_src>
import functools
import math

import jax
import jax.numpy as jnp
from jax import lax
from jax.experimental import pallas as pl
from jax.experimental.pallas import tpu as pltpu
from jax.experimental.pallas import tpu_sc as plsc

H = 64
_NC, _NS, _L = 2, 16, 16


def _silu(x):
    return x / (1.0 + jnp.exp(-x))



@functools.partial(jax.jit, static_argnames=("N", "E"))
def _sc_scatter(h, ef, ei1d, *, N, E):
    HALF = N // _NC
    ROWS = 25088
    TROWS = ROWS // _NS
    ZCH = 56
    ZIT = TROWS // ZCH
    WR = 1568
    WR_LAST = HALF - (_NS - 1) * WR
    K = 80
    EPT = E // _NS
    NCH = EPT // K
    NCHP = NCH - 1
    NP = NCHP // 2

    mesh = plsc.VectorSubcoreMesh(core_axis_name="c", subcore_axis_name="s",
                                  num_cores=_NC, num_subcores=_NS)

    @functools.partial(
        pl.kernel,
        mesh=mesh,
        out_type=jax.ShapeDtypeStruct((N, H), jnp.float32),
        compiler_params=pltpu.CompilerParams(use_tc_tiling_on_sc=False),
        scratch_types=[
            pltpu.VMEM((ZCH, H), jnp.float32),
            [pltpu.VMEM((K,), jnp.int32) for _ in range(2)],
            [pltpu.VMEM((K,), jnp.int32) for _ in range(2)],
            [pltpu.VMEM((K,), jnp.int32) for _ in range(2)],
            [pltpu.VMEM((K, H), jnp.float32) for _ in range(2)],
            [pltpu.VMEM((K // 2, 2 * H), jnp.float32) for _ in range(2)],
            pltpu.VMEM_SHARED((ROWS, H), jnp.float32),
            [pltpu.SemaphoreType.DMA for _ in range(2)],
            [pltpu.SemaphoreType.DMA for _ in range(2)],
            [pltpu.SemaphoreType.DMA for _ in range(2)],
            [pltpu.SemaphoreType.DMA for _ in range(2)],
        ],
    )
    def scat(h_hbm, ef_hbm, ei_hbm, out_hbm, zbuf, srcs, dsts, idxs,
             hrs, efs, aggs, semi, semg, seme, sems):
        c = lax.axis_index("c")
        s = lax.axis_index("s")

        zero16 = jnp.zeros((_L,), jnp.float32)

        def zfill(i, carry):
            r = i // (H // _L)
            q = i % (H // _L)
            zbuf[r, pl.ds(q * _L, _L)] = zero16
            return carry

        lax.fori_loop(0, ZCH * (H // _L), zfill, 0)

        def zcopy(i, carry):
            pltpu.sync_copy(zbuf, aggs.at[pl.ds(s * TROWS + i * ZCH, ZCH)])
            return carry

        lax.fori_loop(0, ZIT, zcopy, 0)
        plsc.subcore_barrier()

        base_row = c * HALF
        ebase = s * EPT

        def issue_idx(ch, b):
            eb = ebase + ch * K
            pltpu.async_copy(ei_hbm.at[pl.ds(eb, K)], srcs[b], semi[b])
            pltpu.async_copy(ei_hbm.at[pl.ds(E + eb, K)], dsts[b], semi[b])

        def drain_idx(b):
            pltpu.make_async_copy(ei_hbm.at[pl.ds(0, K)], srcs[b],
                                  semi[b]).wait()
            pltpu.make_async_copy(ei_hbm.at[pl.ds(0, K)], dsts[b],
                                  semi[b]).wait()

        def compute_idx(dref, iref, n):
            def ixb(j, cr):
                d = dref[pl.ds(j * _L, _L)]
                loc = d - base_row
                ok = (loc >= 0) & (loc < HALF)
                iref[pl.ds(j * _L, _L)] = jnp.where(ok, loc, HALF)
                return cr
            lax.fori_loop(0, n // _L, ixb, 0)

        def compute_msg(href, eref, n):
            def row(rr, cr):
                for half in (0, 1):
                    r = 2 * rr + half
                    for q in range(H // _L):
                        sl = pl.ds(q * _L, _L)
                        esl = pl.ds(half * H + q * _L, _L)
                        href[r, sl] = jnp.maximum(href[r, sl] + eref[rr, esl],
                                                  0.0)
                return cr
            lax.fori_loop(0, n // 2, row, 0)

        issue_idx(0, 0)
        drain_idx(0)
        pltpu.async_copy(h_hbm.at[srcs[0]], hrs[0], semg[0])
        pltpu.async_copy(ef_hbm.at[pl.ds(ebase // 2, K // 2)], efs[0], seme[0])
        issue_idx(1, 1)

        def pair(j, carry):
            for b in (0, 1):
                ch = 2 * j + b
                nb = 1 - b

                compute_idx(dsts[b], idxs[b], K)

                @pl.when(ch + 1 < NCHP)
                def _():
                    @pl.when(ch >= 1)
                    def _():
                        pltpu.make_async_copy(hrs[nb], aggs.at[pl.ds(0, K)],
                                              sems[nb]).wait()
                    drain_idx(nb)
                    pltpu.async_copy(h_hbm.at[srcs[nb]], hrs[nb], semg[nb])
                    pltpu.async_copy(
                        ef_hbm.at[pl.ds((ebase + (ch + 1) * K) // 2, K // 2)],
                        efs[nb], seme[nb])

                pltpu.make_async_copy(h_hbm.at[pl.ds(0, K)], hrs[b],
                                      semg[b]).wait()
                pltpu.make_async_copy(ef_hbm.at[pl.ds(0, K // 2)], efs[b],
                                      seme[b]).wait()

                @pl.when(ch + 2 < NCHP)
                def _():
                    issue_idx(ch + 2, b)

                compute_msg(hrs[b], efs[b], K)
                pltpu.async_copy(hrs[b], aggs.at[idxs[b]], sems[b], add=True)
            return carry

        lax.fori_loop(0, NP, pair, 0)
        pltpu.make_async_copy(hrs[0], aggs.at[pl.ds(0, K)], sems[0]).wait()
        pltpu.make_async_copy(hrs[1], aggs.at[pl.ds(0, K)], sems[1]).wait()

        tb = ebase + NCHP * K
        pltpu.sync_copy(ei_hbm.at[pl.ds(tb, K)], srcs[0])
        cp = pltpu.async_copy(h_hbm.at[srcs[0]], hrs[0], semg[0])
        pltpu.sync_copy(ei_hbm.at[pl.ds(E + tb, K)], dsts[0])
        pltpu.sync_copy(ef_hbm.at[pl.ds(tb // 2, K // 2)], efs[0])
        compute_idx(dsts[0], idxs[0], K)
        cp.wait()
        compute_msg(hrs[0], efs[0], K)
        pltpu.sync_copy(hrs[0], aggs.at[idxs[0]], add=True)
        plsc.subcore_barrier()

        @pl.when(s < _NS - 1)
        def _():
            pltpu.sync_copy(
                aggs.at[pl.ds(s * WR, WR)],
                out_hbm.at[pl.ds(c * HALF + s * WR, WR)],
            )

        @pl.when(s == _NS - 1)
        def _():
            pltpu.sync_copy(
                aggs.at[pl.ds((_NS - 1) * WR, WR_LAST)],
                out_hbm.at[pl.ds(c * HALF + (_NS - 1) * WR, WR_LAST)],
            )

    return scat(h, ef, ei1d)



_NBLK = 1000
_EBLK = 6400


def _dot(a, b):
    return jnp.dot(a, b, preferred_element_type=jnp.float32)


def _node_encoder(x_in, batch2, te, w1, b1, w2, b2, tw, tb):
    N = x_in.shape[0]
    grid = N // _NBLK

    def body(xb, bb, teb, w1b, b1b, w2b, b2b, twb, tbb, out):
        pre = _dot(xb[...], w1b[...]) + b1b[...]
        hcur = _dot(_silu(pre), w2b[...]) + b2b[...]
        tf = _dot(_silu(teb[...]), twb[...]) + tbb[...]
        ids = lax.broadcasted_iota(jnp.int32, (_NBLK, 16), 1)
        oh = (bb[...] == ids).astype(jnp.float32)
        out[...] = hcur + jnp.dot(oh, tf, precision=lax.Precision.HIGHEST,
                                  preferred_element_type=jnp.float32)

    full = lambda shape: pl.BlockSpec(shape, lambda i: (0, 0))
    return pl.pallas_call(
        body,
        grid=(grid,),
        in_specs=[
            pl.BlockSpec((_NBLK, 7), lambda i: (i, 0)),
            pl.BlockSpec((_NBLK, 1), lambda i: (i, 0)),
            full((16, 32)),
            full((7, H)), full((1, H)),
            full((H, H)), full((1, H)),
            full((32, H)), full((1, H)),
        ],
        out_specs=pl.BlockSpec((_NBLK, H), lambda i: (i, 0)),
        out_shape=jax.ShapeDtypeStruct((N, H), jnp.float32),
    )(x_in, batch2, te, w1, b1, w2, b2, tw, tb)


def _edge_mlp(eaT, w1, b1, w2, b2):
    E = eaT.shape[1]
    grid = E // _EBLK

    def body(eb, w1b, b1b, w2b, b2b, out):
        pre = lax.dot_general(eb[...], w1b[...], (((0,), (0,)), ((), ())),
                              preferred_element_type=jnp.float32)
        hid = _silu(pre + b1b[...])
        out[...] = _dot(hid, w2b[...]) + b2b[...]

    full = lambda shape: pl.BlockSpec(shape, lambda i: (0, 0))
    return pl.pallas_call(
        body,
        grid=(grid,),
        in_specs=[
            pl.BlockSpec((2, _EBLK), lambda i: (0, i)),
            full((2, H)), full((1, H)), full((H, H)), full((1, H)),
        ],
        out_specs=pl.BlockSpec((_EBLK, H), lambda i: (i, 0)),
        out_shape=jax.ShapeDtypeStruct((E, H), jnp.float32),
    )(eaT, w1, b1, w2, b2)


def _layer_mlp(h, aggp, w1, b1, w2, b2):
    N = h.shape[0]
    grid = N // _NBLK

    def body(hb, ab, w1b, b1b, w2b, b2b, out):
        z = hb[...] + ab[...]
        hid = _silu(_dot(z, w1b[...]) + b1b[...])
        out[...] = _silu(_dot(hid, w2b[...]) + b2b[...])

    full = lambda shape: pl.BlockSpec(shape, lambda i: (0, 0))
    return pl.pallas_call(
        body,
        grid=(grid,),
        in_specs=[
            pl.BlockSpec((_NBLK, H), lambda i: (i, 0)),
            pl.BlockSpec((_NBLK, H), lambda i: (i, 0)),
            full((H, H)), full((1, H)), full((H, H)), full((1, H)),
        ],
        out_specs=pl.BlockSpec((_NBLK, H), lambda i: (i, 0)),
        out_shape=jax.ShapeDtypeStruct((N, H), jnp.float32),
    )(h, aggp, w1, b1, w2, b2)


def _final_mlp(h, aggp, w1, b1, w2, b2, fw1, fb1, fw2, fb2):
    N = h.shape[0]
    grid = N // _NBLK

    def body(hb, ab, w1b, b1b, w2b, b2b, fw1b, fb1b, fw2b, fb2b, out):
        z = hb[...] + ab[...]
        hid = _silu(_dot(z, w1b[...]) + b1b[...])
        h3 = _silu(_dot(hid, w2b[...]) + b2b[...])
        fh = _silu(_dot(h3, fw1b[...]) + fb1b[...])
        out[...] = _dot(fh, fw2b[...]) + fb2b[...]

    full = lambda shape: pl.BlockSpec(shape, lambda i: (0, 0))
    return pl.pallas_call(
        body,
        grid=(grid,),
        in_specs=[
            pl.BlockSpec((_NBLK, H), lambda i: (i, 0)),
            pl.BlockSpec((_NBLK, H), lambda i: (i, 0)),
            full((H, H)), full((1, H)), full((H, H)), full((1, H)),
            full((H, H)), full((1, H)), full((H, 1)), full((1, 1)),
        ],
        out_specs=pl.BlockSpec((_NBLK, 1), lambda i: (i, 0)),
        out_shape=jax.ShapeDtypeStruct((N, 1), jnp.float32),
    )(h, aggp, w1, b1, w2, b2, fw1, fb1, fw2, fb2)



def kernel(x_t, t, condition, edge_index, edge_attr, batch, params):
    N = x_t.shape[0]
    E = edge_index.shape[1]
    p = params

    half = 16
    freq = jnp.exp(jnp.arange(half, dtype=jnp.float32)
                   * (-math.log(10000.0) / (half - 1)))
    ang = t[:, None].astype(jnp.float32) * freq[None, :]
    te = jnp.concatenate([jnp.sin(ang), jnp.cos(ang)], axis=-1)

    r1 = lambda v: v.reshape(1, -1)
    batch2 = batch.reshape(N, 1)

    x_in = jnp.concatenate([x_t, condition], axis=-1)
    h = _node_encoder(
        x_in, batch2, te,
        p['node_w1'], r1(p['node_b1']),
        p['node_w2'], r1(p['node_b2']),
        p['time_w'], r1(p['time_b']),
    )
    ef = _edge_mlp(edge_attr.T, p['edge_w1'], r1(p['edge_b1']),
                   p['edge_w2'], r1(p['edge_b2'])).reshape(E // 2, 2 * H)

    ei1d = edge_index.reshape(2 * E)
    for name in ('c1', 'c2'):
        aggp = _sc_scatter(h, ef, ei1d, N=N, E=E)
        h = _layer_mlp(h, aggp, p[name + '_w1'], r1(p[name + '_b1']),
                       p[name + '_w2'], r1(p[name + '_b2']))

    aggp = _sc_scatter(h, ef, ei1d, N=N, E=E)
    return _final_mlp(h, aggp, p['c3_w1'], r1(p['c3_b1']),
                      p['c3_w2'], r1(p['c3_b2']),
                      p['f_w1'], r1(p['f_b1']),
                      p['f_w2'], jnp.full((1, 1), p['f_b2'][0]))

# --- scband reference (transcript-rebuilt; emitter-appended) ---
"""Pipeline reference for scband-m3-physics-diffusion-38766374814299 (READ-ONLY COPY).

The authoritative reference and input builder live on the scoring server;
editing this copy changes nothing except your own understanding.
"""

import jax, jax.numpy as jnp
import numpy as np
import math

H = 64

def _silu(x):
    return x * jax.nn.sigmoid(x)

def _mlp2(x, w1, b1, w2, b2):
    return _silu(x @ w1 + b1) @ w2 + b2

def _time_emb(t, dim=32):
    half = dim // 2
    e = math.log(10000) / (half - 1)
    e = jnp.exp(jnp.arange(half, dtype=jnp.float32) * -e)
    e = t[:, None].astype(jnp.float32) * e[None, :]
    return jnp.concatenate([jnp.sin(e), jnp.cos(e)], axis=-1)

def setup_inputs(seed: int = 0):
    key = jax.random.key(seed)
    N, E, B = 50000, 800000, 16
    ks = jax.random.split(key, 40)
    def w(i, shape):
        return jax.random.normal(ks[i], shape, dtype=jnp.float32) * 0.05
    def z(shape):
        return jnp.zeros(shape, dtype=jnp.float32)
    params = {
        'node_w1': w(0, (7, H)), 'node_b1': z((H,)),
        'node_w2': w(1, (H, H)), 'node_b2': z((H,)),
        'edge_w1': w(2, (2, H)), 'edge_b1': z((H,)),
        'edge_w2': w(3, (H, H)), 'edge_b2': z((H,)),
        'time_w': w(4, (32, H)), 'time_b': z((H,)),
        'c1_w1': w(5, (H, H)), 'c1_b1': z((H,)), 'c1_w2': w(6, (H, H)), 'c1_b2': z((H,)),
        'c2_w1': w(7, (H, H)), 'c2_b1': z((H,)), 'c2_w2': w(8, (H, H)), 'c2_b2': z((H,)),
        'c3_w1': w(9, (H, H)), 'c3_b1': z((H,)), 'c3_w2': w(10, (H, H)), 'c3_b2': z((H,)),
        'f_w1': w(11, (H, H)), 'f_b1': z((H,)), 'f_w2': w(12, (H, 1)), 'f_b2': z((1,)),
    }
    return {
        'x_t': jax.random.normal(ks[20], (N, 1), dtype=jnp.float32),
        't': jax.random.randint(ks[21], (B,), 0, 1000, dtype=jnp.int64) if jax.config.jax_enable_x64 else jax.random.randint(ks[21], (B,), 0, 1000, dtype=jnp.int32),
        'condition': jax.random.normal(ks[22], (N, 6), dtype=jnp.float32),
        'edge_index': jax.random.randint(ks[23], (2, E), 0, N, dtype=jnp.int32),
        'edge_attr': jax.random.normal(ks[24], (E, 2), dtype=jnp.float32),
        'batch': jnp.sort(jax.random.randint(ks[25], (N,), 0, B, dtype=jnp.int32)),
        'params': params,
    }

def _forward(x_t, condition, edge_attr, params, t, edge_index, batch):
    N = x_t.shape[0]
    x_in = jnp.concatenate([x_t, condition], axis=-1)
    te = _time_emb(t, 32)
    h = _mlp2(x_in, params['node_w1'], params['node_b1'], params['node_w2'], params['node_b2'])
    ef = _mlp2(edge_attr, params['edge_w1'], params['edge_b1'], params['edge_w2'], params['edge_b2'])
    t_feat = _silu(te) @ params['time_w'] + params['time_b']
    h = h + t_feat[batch]
    src, dst = edge_index[0], edge_index[1]
    for p in ('c1', 'c2', 'c3'):
        msg = jax.nn.relu(h[src] + ef)
        agg = jax.ops.segment_sum(msg, dst, num_segments=N)
        h = _mlp2(h + agg, params[p + '_w1'], params[p + '_b1'], params[p + '_w2'], params[p + '_b2'])
        h = _silu(h)
    return _mlp2(h, params['f_w1'], params['f_b1'], params['f_w2'], params['f_b2'])

def reference(x_t, t, condition, edge_index, edge_attr, batch, params):
    return _forward(x_t, condition, edge_attr, params, t, edge_index, batch)

if __name__ == "__main__":
    import jax
    _d = setup_inputs()
    print(jax.jit(kernel)(*tuple(_d.values())))

</pallas_src>

<mosaic_0001>
#map = affine_map<(d0, d1) -> (0, 0)>
#map1 = affine_map<(d0, d1) -> (0)>
module attributes {stable_mosaic.version = 14 : i64} {
  func.func @scat(%arg0: i32, %arg1: i32, %arg2: memref<50000x64xf32, #tpu.memory_space<hbm>>, %arg3: memref<400000x128xf32, #tpu.memory_space<hbm>>, %arg4: memref<1600000xi32, #tpu.memory_space<hbm>>, %arg5: memref<50000x64xf32, #tpu.memory_space<hbm>>, %arg6: memref<56x64xf32, #tpu.memory_space<vmem>>, %arg7: memref<80xi32, #tpu.memory_space<vmem>>, %arg8: memref<80xi32, #tpu.memory_space<vmem>>, %arg9: memref<80xi32, #tpu.memory_space<vmem>>, %arg10: memref<80xi32, #tpu.memory_space<vmem>>, %arg11: memref<80xi32, #tpu.memory_space<vmem>>, %arg12: memref<80xi32, #tpu.memory_space<vmem>>, %arg13: memref<80x64xf32, #tpu.memory_space<vmem>>, %arg14: memref<80x64xf32, #tpu.memory_space<vmem>>, %arg15: memref<40x128xf32, #tpu.memory_space<vmem>>, %arg16: memref<40x128xf32, #tpu.memory_space<vmem>>, %arg17: memref<25088x64xf32, #tpu.memory_space<vmem_shared>>, %arg18: memref<!tpu.dma_semaphore, #tpu.memory_space<semaphore_mem>>, %arg19: memref<!tpu.dma_semaphore, #tpu.memory_space<semaphore_mem>>, %arg20: memref<!tpu.dma_semaphore, #tpu.memory_space<semaphore_mem>>, %arg21: memref<!tpu.dma_semaphore, #tpu.memory_space<semaphore_mem>>, %arg22: memref<!tpu.dma_semaphore, #tpu.memory_space<semaphore_mem>>, %arg23: memref<!tpu.dma_semaphore, #tpu.memory_space<semaphore_mem>>, %arg24: memref<!tpu.dma_semaphore, #tpu.memory_space<semaphore_mem>>, %arg25: memref<!tpu.dma_semaphore, #tpu.memory_space<semaphore_mem>>) attributes {dimension_semantics = [#tpu.dimension_semantics<core_parallel>, #tpu.dimension_semantics<subcore_parallel>], iteration_bounds = array<i64: 2, 16>, scalar_prefetch = 0 : i64, scratch_operands = 20 : i64, tpu.core_type = #tpu.core_type<sc_vector_subcore>, window_params = [{transform_indices = #map}, {transform_indices = #map}, {transform_indices = #map1}, {transform_indices = #map}]} {
    %broadcast_in_dim3A = arith.constant 0.000000e+00 : f32
    %broadcast_in_dim3A_0 = vector.broadcast %broadcast_in_dim3A : f32 to vector<16xf32>
    %scan3A = arith.constant 0 : i32
    %scan3A_1 = arith.constant 0 : i32
    %scan3A_2 = arith.constant 224 : i32
    %scan3A_3 = arith.addi %scan3A_1, %scan3A_2 : i32
    %scan3A_4 = arith.constant 1 : i32
    scf.for %scan3A_130 = %scan3A_1 to %scan3A_3 step %scan3A_4  : i32 {
      %jit3A_131 = arith.constant 4 : i32
      %div3A_132 = arith.divsi %scan3A_130, %jit3A_131 : i32
      %sign3A_133 = arith.constant 0 : i32
      %sign3A_134 = arith.cmpi sgt, %scan3A_130, %sign3A_133 : i32
      %sign3A_135 = arith.extui %sign3A_134 : i1 to i32
      %sign3A_136 = arith.constant 0 : i32
      %sign3A_137 = arith.cmpi slt, %scan3A_130, %sign3A_136 : i32
      %sign3A_138 = arith.extui %sign3A_137 : i1 to i32
      %sign3A_139 = arith.subi %sign3A_135, %sign3A_138 : i32
      %sign3A_140 = arith.constant 0 : i32
      %sign3A_141 = arith.cmpi sgt, %jit3A_131, %sign3A_140 : i32
      %sign3A_142 = arith.extui %sign3A_141 : i1 to i32
      %sign3A_143 = arith.constant 0 : i32
      %sign3A_144 = arith.cmpi slt, %jit3A_131, %sign3A_143 : i32
      %sign3A_145 = arith.extui %sign3A_144 : i1 to i32
      %sign3A_146 = arith.subi %sign3A_142, %sign3A_145 : i32
      %ne3A_147 = arith.cmpi ne, %sign3A_139, %sign3A_146 : i32
      %rem3A_148 = arith.remsi %scan3A_130, %jit3A_131 : i32
      %ne3A_149 = arith.constant 0 : i32
      %ne3A_150 = arith.cmpi ne, %rem3A_148, %ne3A_149 : i32
      %and3A_151 = arith.andi %ne3A_147, %ne3A_150 : i1
      %sub3A_152 = arith.constant 1 : i32
      %sub3A_153 = arith.subi %div3A_132, %sub3A_152 : i32
      %select_n3A_154 = arith.select %and3A_151, %sub3A_153, %div3A_132 : i32
      %jit3A_155 = arith.constant 4 : i32
      %eq3A_156 = arith.constant 0 : i32
      %eq3A_157 = arith.cmpi eq, %jit3A_155, %eq3A_156 : i32
      %jit3A_158 = arith.constant 1 : i32
      %select_n3A_159 = arith.select %eq3A_157, %jit3A_158, %jit3A_155 : i32
      %rem3A_160 = arith.remsi %scan3A_130, %select_n3A_159 : i32
      %ne3A_161 = arith.constant 0 : i32
      %ne3A_162 = arith.cmpi ne, %rem3A_160, %ne3A_161 : i32
      %lt3A_163 = arith.constant 0 : i32
      %lt3A_164 = arith.cmpi slt, %rem3A_160, %lt3A_163 : i32
      %lt3A_165 = arith.constant 0 : i32
      %lt3A_166 = arith.cmpi slt, %select_n3A_159, %lt3A_165 : i32
      %ne3A_167 = arith.xori %lt3A_164, %lt3A_166 : i1
      %and3A_168 = arith.andi %ne3A_167, %ne3A_162 : i1
      %add3A_169 = arith.addi %rem3A_160, %select_n3A_159 : i32
      %select_n3A_170 = arith.select %and3A_168, %add3A_169, %rem3A_160 : i32
      %mul3A_171 = arith.constant 16 : i32
      %mul3A_172 = arith.muli %select_n3A_170, %mul3A_171 : i32
      %swap3A = arith.index_cast %select_n3A_154 : i32 to index
      %swap3A_173 = arith.index_cast %mul3A_172 : i32 to index
      %swap3A_174 = tpu.vector_load %arg6[%swap3A, %swap3A_173] {strides = array<i32>} : memref<56x64xf32, #tpu.memory_space<vmem>>, vector<1x16xf32>,
      %swap3A_175 = vector.shape_cast %swap3A_174 : vector<1x16xf32> to vector<16xf32>
      %swap3A_176 = vector.shape_cast %broadcast_in_dim3A_0 : vector<16xf32> to vector<1x16xf32>
      tpu.vector_store %arg6[%swap3A, %swap3A_173], %swap3A_176 {strides = array<i32>} : memref<56x64xf32, #tpu.memory_space<vmem>>, vector<1x16xf32>,
    }
    %scan3A_5 = arith.constant 224 : i32
    %scan3A_6 = arith.constant 0 : i32
    %scan3A_7 = arith.constant 0 : i32
    %scan3A_8 = arith.constant 28 : i32
    %scan3A_9 = arith.addi %scan3A_7, %scan3A_8 : i32
    %scan3A_10 = arith.constant 1 : i32
    scf.for %scan3A_130 = %scan3A_7 to %scan3A_9 step %scan3A_10  : i32 {
      %mul3A_131 = arith.constant 1568 : i32
      %mul3A_132 = arith.muli %arg1, %mul3A_131 : i32
      %mul3A_133 = arith.constant 56 : i32
      %mul3A_134 = arith.muli %scan3A_130, %mul3A_133 : i32
      %add3A_135 = arith.addi %mul3A_132, %mul3A_134 : i32
      "tpu.region"() ({
        %run_scoped3A = tpu.sem_alloc : memref<!tpu.dma_semaphore, #tpu.memory_space<semaphore_mem>>
        %dma_start3A_136 = arith.constant 0 : i32
        %dma_start3A_137 = tpu.memref_slice %arg17[%add3A_135, %dma_start3A_136] : memref<25088x64xf32, #tpu.memory_space<vmem_shared>> -> memref<56x64xf32, #tpu.memory_space<vmem_shared>>
        %dma_start3A_138 = arith.constant 0 : i32
        %dma_start3A_139 = tpu.memref_slice %arg17[%add3A_135, %dma_start3A_138] : memref<25088x64xf32, #tpu.memory_space<vmem_shared>> -> memref<56x64xf32, #tpu.memory_space<vmem_shared>>
        tpu.enqueue_dma source(%arg6 : memref<56x64xf32, #tpu.memory_space<vmem>>) target(%dma_start3A_139 : memref<56x64xf32, #tpu.memory_space<vmem_shared>>) target_semaphore(%run_scoped3A : memref<!tpu.dma_semaphore, #tpu.memory_space<semaphore_mem>>)
        %dma_wait3A_140 = arith.constant 0 : i32
        %dma_wait3A_141 = tpu.memref_slice %arg17[%add3A_135, %dma_wait3A_140] : memref<25088x64xf32, #tpu.memory_space<vmem_shared>> -> memref<56x64xf32, #tpu.memory_space<vmem_shared>>
        %dma_wait3A_142 = arith.constant 0 : i32
        %dma_wait3A_143 = tpu.memref_slice %arg17[%add3A_135, %dma_wait3A_142] : memref<25088x64xf32, #tpu.memory_space<vmem_shared>> -> memref<56x64xf32, #tpu.memory_space<vmem_shared>>
        tpu.wait_dma2 semaphore(%run_scoped3A : memref<!tpu.dma_semaphore, #tpu.memory_space<semaphore_mem>>) src(%arg6 : memref<56x64xf32, #tpu.memory_space<vmem>>) dst(%dma_wait3A_143 : memref<56x64xf32, #tpu.memory_space<vmem_shared>>)
        tpu.yield
      }) : () -> ()
    }
    %scan3A_11 = arith.constant 28 : i32
    %barrier3A = arith.constant 0 : index
    tpu.barrier barrier_id(%barrier3A)
    %mul3A = arith.constant 25000 : i32
    %mul3A_12 = arith.muli %arg0, %mul3A : i32
    %mul3A_13 = arith.constant 50000 : i32
    %mul3A_14 = arith.muli %arg1, %mul3A_13 : i32
    %add3A = arith.constant 0 : i32
    %add3A_15 = arith.addi %mul3A_14, %add3A : i32
    %dma_start3A = tpu.memref_slice %arg4[%add3A_15] : memref<1600000xi32, #tpu.memory_space<hbm>> -> memref<80xi32, #tpu.memory_space<hbm>>
    %dma_start3A_16 = tpu.memref_slice %arg4[%add3A_15] : memref<1600000xi32, #tpu.memory_space<hbm>> -> memref<80xi32, #tpu.memory_space<hbm>>
    tpu.enqueue_dma source(%dma_start3A_16 : memref<80xi32, #tpu.memory_space<hbm>>) target(%arg7 : memref<80xi32, #tpu.memory_space<vmem>>) target_semaphore(%arg18 : memref<!tpu.dma_semaphore, #tpu.memory_space<semaphore_mem>>)
    %add3A_17 = arith.constant 800000 : i32
    %add3A_18 = arith.addi %add3A_17, %add3A_15 : i32
    %dma_start3A_19 = tpu.memref_slice %arg4[%add3A_18] : memref<1600000xi32, #tpu.memory_space<hbm>> -> memref<80xi32, #tpu.memory_space<hbm>>
    %dma_start3A_20 = tpu.memref_slice %arg4[%add3A_18] : memref<1600000xi32, #tpu.memory_space<hbm>> -> memref<80xi32, #tpu.memory_space<hbm>>
    tpu.enqueue_dma source(%dma_start3A_20 : memref<80xi32, #tpu.memory_space<hbm>>) target(%arg9 : memref<80xi32, #tpu.memory_space<vmem>>) target_semaphore(%arg18 : memref<!tpu.dma_semaphore, #tpu.memory_space<semaphore_mem>>)
    %dma_wait3A = arith.constant 0 : i32
    %dma_wait3A_21 = tpu.memref_slice %arg4[%dma_wait3A] : memref<1600000xi32, #tpu.memory_space<hbm>> -> memref<80xi32, #tpu.memory_space<hbm>>
    %dma_wait3A_22 = arith.constant 0 : i32
    %dma_wait3A_23 = tpu.memref_slice %arg4[%dma_wait3A_22] : memref<1600000xi32, #tpu.memory_space<hbm>> -> memref<80xi32, #tpu.memory_space<hbm>>
    tpu.wait_dma2 semaphore(%arg18 : memref<!tpu.dma_semaphore, #tpu.memory_space<semaphore_mem>>) src(%dma_wait3A_23 : memref<80xi32, #tpu.memory_space<hbm>>) dst(%arg7 : memref<80xi32, #tpu.memory_space<vmem>>)
    %dma_wait3A_24 = arith.constant 0 : i32
    %dma_wait3A_25 = tpu.memref_slice %arg4[%dma_wait3A_24] : memref<1600000xi32, #tpu.memory_space<hbm>> -> memref<80xi32, #tpu.memory_space<hbm>>
    %dma_wait3A_26 = arith.constant 0 : i32
    %dma_wait3A_27 = tpu.memref_slice %arg4[%dma_wait3A_26] : memref<1600000xi32, #tpu.memory_space<hbm>> -> memref<80xi32, #tpu.memory_space<hbm>>
    tpu.wait_dma2 semaphore(%arg18 : memref<!tpu.dma_semaphore, #tpu.memory_space<semaphore_mem>>) src(%dma_wait3A_27 : memref<80xi32, #tpu.memory_space<hbm>>) dst(%arg9 : memref<80xi32, #tpu.memory_space<vmem>>)
    %dma_start3A_28 = arith.constant 0 : i32
    %dma_start3A_29 = arith.constant 0 : i32
    %dma_start3A_30 = tpu.memref_slice %arg2[%dma_start3A_28, %dma_start3A_29] : memref<50000x64xf32, #tpu.memory_space<hbm>> -> memref<50000x64xf32, #tpu.memory_space<hbm>>
    tpu.enqueue_indirect_dma source(%dma_start3A_30 : memref<50000x64xf32, #tpu.memory_space<hbm>>) target(%arg13 : memref<80x64xf32, #tpu.memory_space<vmem>>) offsets(%arg7 : memref<80xi32, #tpu.memory_space<vmem>>) semaphore(%arg20 : memref<!tpu.dma_semaphore, #tpu.memory_space<semaphore_mem>>)
    %jit3A = arith.constant 2 : i32
    %div3A = arith.divsi %mul3A_14, %jit3A : i32
    %sign3A = arith.constant 0 : i32
    %sign3A_31 = arith.cmpi sgt, %mul3A_14, %sign3A : i32
    %sign3A_32 = arith.extui %sign3A_31 : i1 to i32
    %sign3A_33 = arith.constant 0 : i32
    %sign3A_34 = arith.cmpi slt, %mul3A_14, %sign3A_33 : i32
    %sign3A_35 = arith.extui %sign3A_34 : i1 to i32
    %sign3A_36 = arith.subi %sign3A_32, %sign3A_35 : i32
    %sign3A_37 = arith.constant 0 : i32
    %sign3A_38 = arith.cmpi sgt, %jit3A, %sign3A_37 : i32
    %sign3A_39 = arith.extui %sign3A_38 : i1 to i32
    %sign3A_40 = arith.constant 0 : i32
    %sign3A_41 = arith.cmpi slt, %jit3A, %sign3A_40 : i32
    %sign3A_42 = arith.extui %sign3A_41 : i1 to i32
    %sign3A_43 = arith.subi %sign3A_39, %sign3A_42 : i32
    %ne3A = arith.cmpi ne, %sign3A_36, %sign3A_43 : i32
    %rem3A = arith.remsi %mul3A_14, %jit3A : i32
    %ne3A_44 = arith.constant 0 : i32
    %ne3A_45 = arith.cmpi ne, %rem3A, %ne3A_44 : i32
    %and3A = arith.andi %ne3A, %ne3A_45 : i1
    %sub3A = arith.constant 1 : i32
    %sub3A_46 = arith.subi %div3A, %sub3A : i32
    %select_n3A = arith.select %and3A, %sub3A_46, %div3A : i32
    %dma_start3A_47 = arith.constant 0 : i32
    %dma_start3A_48 = tpu.memref_slice %arg3[%select_n3A, %dma_start3A_47] : memref<400000x128xf32, #tpu.memory_space<hbm>> -> memref<40x128xf32, #tpu.memory_space<hbm>>
    %dma_start3A_49 = arith.constant 0 : i32
    %dma_start3A_50 = tpu.memref_slice %arg3[%select_n3A, %dma_start3A_49] : memref<400000x128xf32, #tpu.memory_space<hbm>> -> memref<40x128xf32, #tpu.memory_space<hbm>>
    tpu.enqueue_dma source(%dma_start3A_50 : memref<40x128xf32, #tpu.memory_space<hbm>>) target(%arg15 : memref<40x128xf32, #tpu.memory_space<vmem>>) target_semaphore(%arg22 : memref<!tpu.dma_semaphore, #tpu.memory_space<semaphore_mem>>)
    %add3A_51 = arith.constant 80 : i32
    %add3A_52 = arith.addi %mul3A_14, %add3A_51 : i32
    %dma_start3A_53 = tpu.memref_slice %arg4[%add3A_52] : memref<1600000xi32, #tpu.memory_space<hbm>> -> memref<80xi32, #tpu.memory_space<hbm>>
    %dma_start3A_54 = tpu.memref_slice %arg4[%add3A_52] : memref<1600000xi32, #tpu.memory_space<hbm>> -> memref<80xi32, #tpu.memory_space<hbm>>
    tpu.enqueue_dma source(%dma_start3A_54 : memref<80xi32, #tpu.memory_space<hbm>>) target(%arg8 : memref<80xi32, #tpu.memory_space<vmem>>) target_semaphore(%arg19 : memref<!tpu.dma_semaphore, #tpu.memory_space<semaphore_mem>>)
    %add3A_55 = arith.constant 800000 : i32
    %add3A_56 = arith.addi %add3A_55, %add3A_52 : i32
    %dma_start3A_57 = tpu.memref_slice %arg4[%add3A_56] : memref<1600000xi32, #tpu.memory_space<hbm>> -> memref<80xi32, #tpu.memory_space<hbm>>
    %dma_start3A_58 = tpu.memref_slice %arg4[%add3A_56] : memref<1600000xi32, #tpu.memory_space<hbm>> -> memref<80xi32, #tpu.memory_space<hbm>>
    tpu.enqueue_dma source(%dma_start3A_58 : memref<80xi32, #tpu.memory_space<hbm>>) target(%arg10 : memref<80xi32, #tpu.memory_space<vmem>>) target_semaphore(%arg19 : memref<!tpu.dma_semaphore, #tpu.memory_space<semaphore_mem>>)
    %scan3A_59 = arith.constant 0 : i32
    %scan3A_60 = arith.constant 0 : i32
    %scan3A_61 = arith.constant 312 : i32
    %scan3A_62 = arith.addi %scan3A_60, %scan3A_61 : i32
    %scan3A_63 = arith.constant 1 : i32
    scf.for %scan3A_130 = %scan3A_60 to %scan3A_62 step %scan3A_63  : i32 {
      %mul3A_131 = arith.constant 2 : i32
      %mul3A_132 = arith.muli %mul3A_131, %scan3A_130 : i32
      %add3A_133 = arith.constant 0 : i32
      %add3A_134 = arith.addi %mul3A_132, %add3A_133 : i32
      %scan3A_135 = arith.constant 0 : i32
      %scan3A_136 = arith.constant 0 : i32
      %scan3A_137 = arith.constant 5 : i32
      %scan3A_138 = arith.addi %scan3A_136, %scan3A_137 : i32
      %scan3A_139 = arith.constant 1 : i32
      scf.for %scan3A_221 = %scan3A_136 to %scan3A_138 step %scan3A_139  : i32 {
        %mul3A_222 = arith.constant 16 : i32
        %mul3A_223 = arith.muli %scan3A_221, %mul3A_222 : i32
        %get3A = arith.index_cast %mul3A_223 : i32 to index
        %get3A_224 = tpu.vector_load %arg9[%get3A] {strides = array<i32>} : memref<80xi32, #tpu.memory_space<vmem>>, vector<16xi32>,
        %get3A_225 = vector.shape_cast %get3A_224 : vector<16xi32> to vector<16xi32>
        %sub3A_226 = vector.broadcast %mul3A_12 : i32 to vector<16xi32>
        %sub3A_227 = arith.subi %get3A_225, %sub3A_226 : vector<16xi32>
        %ge3A = arith.constant 0 : i32
        %ge3A_228 = vector.broadcast %ge3A : i32 to vector<16xi32>
        %ge3A_229 = arith.cmpi sge, %sub3A_227, %ge3A_228 : vector<16xi32>
        %lt3A_230 = arith.constant 25000 : i32
        %lt3A_231 = vector.broadcast %lt3A_230 : i32 to vector<16xi32>
        %lt3A_232 = arith.cmpi slt, %sub3A_227, %lt3A_231 : vector<16xi32>
        %and3A_233 = arith.andi %ge3A_229, %lt3A_232 : vector<16xi1>
        %jit3A_234 = arith.constant 25000 : i32
        %broadcast_in_dim3A_235 = vector.broadcast %jit3A_234 : i32 to vector<16xi32>
        %select_n3A_236 = arith.select %and3A_233, %sub3A_227, %broadcast_in_dim3A_235 : vector<16xi1>, vector<16xi32>
        %mul3A_237 = arith.constant 16 : i32
        %mul3A_238 = arith.muli %scan3A_221, %mul3A_237 : i32
        %swap3A = arith.index_cast %mul3A_238 : i32 to index
        %swap3A_239 = tpu.vector_load %arg11[%swap3A] {strides = array<i32>} : memref<80xi32, #tpu.memory_space<vmem>>, vector<16xi32>,
        %swap3A_240 = vector.shape_cast %swap3A_239 : vector<16xi32> to vector<16xi32>
        %swap3A_241 = vector.shape_cast %select_n3A_236 : vector<16xi32> to vector<16xi32>
        tpu.vector_store %arg11[%swap3A], %swap3A_241 {strides = array<i32>} : memref<80xi32, #tpu.memory_space<vmem>>, vector<16xi32>,
      }
      %scan3A_140 = arith.constant 5 : i32
      %add3A_141 = arith.constant 1 : i32
      %add3A_142 = arith.addi %add3A_134, %add3A_141 : i32
      %lt3A_143 = arith.constant 624 : i32
      %lt3A_144 = arith.cmpi slt, %add3A_142, %lt3A_143 : i32
      %convert_element_type3A_145 = arith.extui %lt3A_144 : i1 to i32
      %cond3A_146 = arith.constant 0 : i32
      %cond3A_147 = arith.cmpi ne, %convert_element_type3A_145, %cond3A_146 : i32
      scf.if %cond3A_147 {
        %ge3A = arith.constant 1 : i32
        %ge3A_221 = arith.cmpi sge, %add3A_134, %ge3A : i32
        %convert_element_type3A_222 = arith.extui %ge3A_221 : i1 to i32
        %cond3A_223 = arith.constant 0 : i32
        %cond3A_224 = arith.cmpi ne, %convert_element_type3A_222, %cond3A_223 : i32
        scf.if %cond3A_224 {
          %dma_wait3A_269 = arith.constant 0 : i32
          %dma_wait3A_270 = arith.constant 0 : i32
          %dma_wait3A_271 = tpu.memref_slice %arg17[%dma_wait3A_269, %dma_wait3A_270] : memref<25088x64xf32, #tpu.memory_space<vmem_shared>> -> memref<80x64xf32, #tpu.memory_space<vmem_shared>>
          %dma_wait3A_272 = arith.constant 0 : i32
          %dma_wait3A_273 = arith.constant 0 : i32
          %dma_wait3A_274 = tpu.memref_slice %arg17[%dma_wait3A_272, %dma_wait3A_273] : memref<25088x64xf32, #tpu.memory_space<vmem_shared>> -> memref<80x64xf32, #tpu.memory_space<vmem_shared>>
          tpu.wait_dma2 semaphore(%arg25 : memref<!tpu.dma_semaphore, #tpu.memory_space<semaphore_mem>>) src(%arg14 : memref<80x64xf32, #tpu.memory_space<vmem>>) dst(%dma_wait3A_274 : memref<80x64xf32, #tpu.memory_space<vmem_shared>>)
        } else {
        }
        %dma_wait3A_225 = arith.constant 0 : i32
        %dma_wait3A_226 = tpu.memref_slice %arg4[%dma_wait3A_225] : memref<1600000xi32, #tpu.memory_space<hbm>> -> memref<80xi32, #tpu.memory_space<hbm>>
        %dma_wait3A_227 = arith.constant 0 : i32
        %dma_wait3A_228 = tpu.memref_slice %arg4[%dma_wait3A_227] : memref<1600000xi32, #tpu.memory_space<hbm>> -> memref<80xi32, #tpu.memory_space<hbm>>
        tpu.wait_dma2 semaphore(%arg19 : memref<!tpu.dma_semaphore, #tpu.memory_space<semaphore_mem>>) src(%dma_wait3A_228 : memref<80xi32, #tpu.memory_space<hbm>>) dst(%arg8 : memref<80xi32, #tpu.memory_space<vmem>>)
        %dma_wait3A_229 = arith.constant 0 : i32
        %dma_wait3A_230 = tpu.memref_slice %arg4[%dma_wait3A_229] : memref<1600000xi32, #tpu.memory_space<hbm>> -> memref<80xi32, #tpu.memory_space<hbm>>
        %dma_wait3A_231 = arith.constant 0 : i32
        %dma_wait3A_232 = tpu.memref_slice %arg4[%dma_wait3A_231] : memref<1600000xi32, #tpu.memory_space<hbm>> -> memref<80xi32, #tpu.memory_space<hbm>>
        tpu.wait_dma2 semaphore(%arg19 : memref<!tpu.dma_semaphore, #tpu.memory_space<semaphore_mem>>) src(%dma_wait3A_232 : memref<80xi32, #tpu.memory_space<hbm>>) dst(%arg10 : memref<80xi32, #tpu.memory_space<vmem>>)
        %dma_start3A_233 = arith.constant 0 : i32
        %dma_start3A_234 = arith.constant 0 : i32
        %dma_start3A_235 = tpu.memref_slice %arg2[%dma_start3A_233, %dma_start3A_234] : memref<50000x64xf32, #tpu.memory_space<hbm>> -> memref<50000x64xf32, #tpu.memory_space<hbm>>
        tpu.enqueue_indirect_dma source(%dma_start3A_235 : memref<50000x64xf32, #tpu.memory_space<hbm>>) target(%arg14 : memref<80x64xf32, #tpu.memory_space<vmem>>) offsets(%arg8 : memref<80xi32, #tpu.memory_space<vmem>>) semaphore(%arg21 : memref<!tpu.dma_semaphore, #tpu.memory_space<semaphore_mem>>)
        %add3A_236 = arith.constant 1 : i32
        %add3A_237 = arith.addi %add3A_134, %add3A_236 : i32
        %mul3A_238 = arith.constant 80 : i32
        %mul3A_239 = arith.muli %add3A_237, %mul3A_238 : i32
        %add3A_240 = arith.addi %mul3A_14, %mul3A_239 : i32
        %jit3A_241 = arith.constant 2 : i32
        %div3A_242 = arith.divsi %add3A_240, %jit3A_241 : i32
        %sign3A_243 = arith.constant 0 : i32
        %sign3A_244 = arith.cmpi sgt, %add3A_240, %sign3A_243 : i32
        %sign3A_245 = arith.extui %sign3A_244 : i1 to i32
        %sign3A_246 = arith.constant 0 : i32
        %sign3A_247 = arith.cmpi slt, %add3A_240, %sign3A_246 : i32
        %sign3A_248 = arith.extui %sign3A_247 : i1 to i32
        %sign3A_249 = arith.subi %sign3A_245, %sign3A_248 : i32
        %sign3A_250 = arith.constant 0 : i32
        %sign3A_251 = arith.cmpi sgt, %jit3A_241, %sign3A_250 : i32
        %sign3A_252 = arith.extui %sign3A_251 : i1 to i32
        %sign3A_253 = arith.constant 0 : i32
        %sign3A_254 = arith.cmpi slt, %jit3A_241, %sign3A_253 : i32
        %sign3A_255 = arith.extui %sign3A_254 : i1 to i32
        %sign3A_256 = arith.subi %sign3A_252, %sign3A_255 : i32
        %ne3A_257 = arith.cmpi ne, %sign3A_249, %sign3A_256 : i32
        %rem3A_258 = arith.remsi %add3A_240, %jit3A_241 : i32
        %ne3A_259 = arith.constant 0 : i32
        %ne3A_260 = arith.cmpi ne, %rem3A_258, %ne3A_259 : i32
        %and3A_261 = arith.andi %ne3A_257, %ne3A_260 : i1
        %sub3A_262 = arith.constant 1 : i32
        %sub3A_263 = arith.subi %div3A_242, %sub3A_262 : i32
        %select_n3A_264 = arith.select %and3A_261, %sub3A_263, %div3A_242 : i32
        %dma_start3A_265 = arith.constant 0 : i32
        %dma_start3A_266 = tpu.memref_slice %arg3[%select_n3A_264, %dma_start3A_265] : memref<400000x128xf32, #tpu.memory_space<hbm>> -> memref<40x128xf32, #tpu.memory_space<hbm>>
        %dma_start3A_267 = arith.constant 0 : i32
        %dma_start3A_268 = tpu.memref_slice %arg3[%select_n3A_264, %dma_start3A_267] : memref<400000x128xf32, #tpu.memory_space<hbm>> -> memref<40x128xf32, #tpu.memory_space<hbm>>
        tpu.enqueue_dma source(%dma_start3A_268 : memref<40x128xf32, #tpu.memory_space<hbm>>) target(%arg16 : memref<40x128xf32, #tpu.memory_space<vmem>>) target_semaphore(%arg23 : memref<!tpu.dma_semaphore, #tpu.memory_space<semaphore_mem>>)
      } else {
      }
      %dma_wait3A_148 = arith.constant 0 : i32
      %dma_wait3A_149 = arith.constant 0 : i32
      %dma_wait3A_150 = tpu.memref_slice %arg2[%dma_wait3A_148, %dma_wait3A_149] : memref<50000x64xf32, #tpu.memory_space<hbm>> -> memref<80x64xf32, #tpu.memory_space<hbm>>
      %dma_wait3A_151 = arith.constant 0 : i32
      %dma_wait3A_152 = arith.constant 0 : i32
      %dma_wait3A_153 = tpu.memref_slice %arg2[%dma_wait3A_151, %dma_wait3A_152] : memref<50000x64xf32, #tpu.memory_space<hbm>> -> memref<80x64xf32, #tpu.memory_space<hbm>>
      tpu.wait_dma2 semaphore(%arg20 : memref<!tpu.dma_semaphore, #tpu.memory_space<semaphore_mem>>) src(%dma_wait3A_153 : memref<80x64xf32, #tpu.memory_space<hbm>>) dst(%arg13 : memref<80x64xf32, #tpu.memory_space<vmem>>)
      %dma_wait3A_154 = arith.constant 0 : i32
      %dma_wait3A_155 = arith.constant 0 : i32
      %dma_wait3A_156 = tpu.memref_slice %arg3[%dma_wait3A_154, %dma_wait3A_155] : memref<400000x128xf32, #tpu.memory_space<hbm>> -> memref<40x128xf32, #tpu.memory_space<hbm>>
      %dma_wait3A_157 = arith.constant 0 : i32
      %dma_wait3A_158 = arith.constant 0 : i32
      %dma_wait3A_159 = tpu.memref_slice %arg3[%dma_wait3A_157, %dma_wait3A_158] : memref<400000x128xf32, #tpu.memory_space<hbm>> -> memref<40x128xf32, #tpu.memory_space<hbm>>
      tpu.wait_dma2 semaphore(%arg22 : memref<!tpu.dma_semaphore, #tpu.memory_space<semaphore_mem>>) src(%dma_wait3A_159 : memref<40x128xf32, #tpu.memory_space<hbm>>) dst(%arg15 : memref<40x128xf32, #tpu.memory_space<vmem>>)
      %add3A_160 = arith.constant 2 : i32
      %add3A_161 = arith.addi %add3A_134, %add3A_160 : i32
      %lt3A_162 = arith.constant 624 : i32
      %lt3A_163 = arith.cmpi slt, %add3A_161, %lt3A_162 : i32
      %convert_element_type3A_164 = arith.extui %lt3A_163 : i1 to i32
      %cond3A_165 = arith.constant 0 : i32
      %cond3A_166 = arith.cmpi ne, %convert_element_type3A_164, %cond3A_165 : i32
      scf.if %cond3A_166 {
        %add3A_221 = arith.constant 2 : i32
        %add3A_222 = arith.addi %add3A_134, %add3A_221 : i32
        %mul3A_223 = arith.constant 80 : i32
        %mul3A_224 = arith.muli %add3A_222, %mul3A_223 : i32
        %add3A_225 = arith.addi %mul3A_14, %mul3A_224 : i32
        %dma_start3A_226 = tpu.memref_slice %arg4[%add3A_225] : memref<1600000xi32, #tpu.memory_space<hbm>> -> memref<80xi32, #tpu.memory_space<hbm>>
        %dma_start3A_227 = tpu.memref_slice %arg4[%add3A_225] : memref<1600000xi32, #tpu.memory_space<hbm>> -> memref<80xi32, #tpu.memory_space<hbm>>
        tpu.enqueue_dma source(%dma_start3A_227 : memref<80xi32, #tpu.memory_space<hbm>>) target(%arg7 : memref<80xi32, #tpu.memory_space<vmem>>) target_semaphore(%arg18 : memref<!tpu.dma_semaphore, #tpu.memory_space<semaphore_mem>>)
        %add3A_228 = arith.constant 800000 : i32
        %add3A_229 = arith.addi %add3A_228, %add3A_225 : i32
        %dma_start3A_230 = tpu.memref_slice %arg4[%add3A_229] : memref<1600000xi32, #tpu.memory_space<hbm>> -> memref<80xi32, #tpu.memory_space<hbm>>
        %dma_start3A_231 = tpu.memref_slice %arg4[%add3A_229] : memref<1600000xi32, #tpu.memory_space<hbm>> -> memref<80xi32, #tpu.memory_space<hbm>>
        tpu.enqueue_dma source(%dma_start3A_231 : memref<80xi32, #tpu.memory_space<hbm>>) target(%arg9 : memref<80xi32, #tpu.memory_space<vmem>>) target_semaphore(%arg18 : memref<!tpu.dma_semaphore, #tpu.memory_space<semaphore_mem>>)
      } else {
      }
      %scan3A_167 = arith.constant 0 : i32
      %scan3A_168 = arith.constant 0 : i32
      %scan3A_169 = arith.constant 40 : i32
      %scan3A_170 = arith.addi %scan3A_168, %scan3A_169 : i32
      %scan3A_171 = arith.constant 1 : i32
      scf.for %scan3A_221 = %scan3A_168 to %scan3A_170 step %scan3A_171  : i32 {
        %mul3A_222 = arith.constant 2 : i32
        %mul3A_223 = arith.muli %mul3A_222, %scan3A_221 : i32
        %add3A_224 = arith.constant 0 : i32
        %add3A_225 = arith.addi %mul3A_223, %add3A_224 : i32
        %get3A = arith.index_cast %add3A_225 : i32 to index
        %get3A_226 = arith.constant 0 : index
        %get3A_227 = tpu.vector_load %arg13[%get3A, %get3A_226] {strides = array<i32>} : memref<80x64xf32, #tpu.memory_space<vmem>>, vector<1x16xf32>,
        %get3A_228 = vector.shape_cast %get3A_227 : vector<1x16xf32> to vector<16xf32>
        %get3A_229 = arith.index_cast %scan3A_221 : i32 to index
        %get3A_230 = arith.constant 0 : index
        %get3A_231 = tpu.vector_load %arg15[%get3A_229, %get3A_230] {strides = array<i32>} : memref<40x128xf32, #tpu.memory_space<vmem>>, vector<1x16xf32>,
        %get3A_232 = vector.shape_cast %get3A_231 : vector<1x16xf32> to vector<16xf32>
        %add3A_233 = arith.addf %get3A_228, %get3A_232 : vector<16xf32>
        %max3A = arith.constant 0.000000e+00 : f32
        %max3A_234 = vector.broadcast %max3A : f32 to vector<16xf32>
        %max3A_235 = arith.maximumf %add3A_233, %max3A_234 : vector<16xf32>
        %swap3A = arith.index_cast %add3A_225 : i32 to index
        %swap3A_236 = arith.constant 0 : index
        %swap3A_237 = tpu.vector_load %arg13[%swap3A, %swap3A_236] {strides = array<i32>} : memref<80x64xf32, #tpu.memory_space<vmem>>, vector<1x16xf32>,
        %swap3A_238 = vector.shape_cast %swap3A_237 : vector<1x16xf32> to vector<16xf32>
        %swap3A_239 = vector.shape_cast %max3A_235 : vector<16xf32> to vector<1x16xf32>
        tpu.vector_store %arg13[%swap3A, %swap3A_236], %swap3A_239 {strides = array<i32>} : memref<80x64xf32, #tpu.memory_space<vmem>>, vector<1x16xf32>,
        %get3A_240 = arith.index_cast %add3A_225 : i32 to index
        %get3A_241 = arith.constant 16 : index
        %get3A_242 = tpu.vector_load %arg13[%get3A_240, %get3A_241] {strides = array<i32>} : memref<80x64xf32, #tpu.memory_space<vmem>>, vector<1x16xf32>,
        %get3A_243 = vector.shape_cast %get3A_242 : vector<1x16xf32> to vector<16xf32>
        %get3A_244 = arith.index_cast %scan3A_221 : i32 to index
        %get3A_245 = arith.constant 16 : index
        %get3A_246 = tpu.vector_load %arg15[%get3A_244, %get3A_245] {strides = array<i32>} : memref<40x128xf32, #tpu.memory_space<vmem>>, vector<1x16xf32>,
        %get3A_247 = vector.shape_cast %get3A_246 : vector<1x16xf32> to vector<16xf32>
        %add3A_248 = arith.addf %get3A_243, %get3A_247 : vector<16xf32>
        %max3A_249 = arith.constant 0.000000e+00 : f32
        %max3A_250 = vector.broadcast %max3A_249 : f32 to vector<16xf32>
        %max3A_251 = arith.maximumf %add3A_248, %max3A_250 : vector<16xf32>
        %swap3A_252 = arith.index_cast %add3A_225 : i32 to index
        %swap3A_253 = arith.constant 16 : index
        %swap3A_254 = tpu.vector_load %arg13[%swap3A_252, %swap3A_253] {strides = array<i32>} : memref<80x64xf32, #tpu.memory_space<vmem>>, vector<1x16xf32>,
        %swap3A_255 = vector.shape_cast %swap3A_254 : vector<1x16xf32> to vector<16xf32>
        %swap3A_256 = vector.shape_cast %max3A_251 : vector<16xf32> to vector<1x16xf32>
        tpu.vector_store %arg13[%swap3A_252, %swap3A_253], %swap3A_256 {strides = array<i32>} : memref<80x64xf32, #tpu.memory_space<vmem>>, vector<1x16xf32>,
        %get3A_257 = arith.index_cast %add3A_225 : i32 to index
        %get3A_258 = arith.constant 32 : index
        %get3A_259 = tpu.vector_load %arg13[%get3A_257, %get3A_258] {strides = array<i32>} : memref<80x64xf32, #tpu.memory_space<vmem>>, vector<1x16xf32>,
        %get3A_260 = vector.shape_cast %get3A_259 : vector<1x16xf32> to vector<16xf32>
        %get3A_261 = arith.index_cast %scan3A_221 : i32 to index
        %get3A_262 = arith.constant 32 : index
        %get3A_263 = tpu.vector_load %arg15[%get3A_261, %get3A_262] {strides = array<i32>} : memref<40x128xf32, #tpu.memory_space<vmem>>, vector<1x16xf32>,
        %get3A_264 = vector.shape_cast %get3A_263 : vector<1x16xf32> to vector<16xf32>
        %add3A_265 = arith.addf %get3A_260, %get3A_264 : vector<16xf32>
        %max3A_266 = arith.constant 0.000000e+00 : f32
        %max3A_267 = vector.broadcast %max3A_266 : f32 to vector<16xf32>
        %max3A_268 = arith.maximumf %add3A_265, %max3A_267 : vector<16xf32>
        %swap3A_269 = arith.index_cast %add3A_225 : i32 to index
        %swap3A_270 = arith.constant 32 : index
        %swap3A_271 = tpu.vector_load %arg13[%swap3A_269, %swap3A_270] {strides = array<i32>} : memref<80x64xf32, #tpu.memory_space<vmem>>, vector<1x16xf32>,
        %swap3A_272 = vector.shape_cast %swap3A_271 : vector<1x16xf32> to vector<16xf32>
        %swap3A_273 = vector.shape_cast %max3A_268 : vector<16xf32> to vector<1x16xf32>
        tpu.vector_store %arg13[%swap3A_269, %swap3A_270], %swap3A_273 {strides = array<i32>} : memref<80x64xf32, #tpu.memory_space<vmem>>, vector<1x16xf32>,
        %get3A_274 = arith.index_cast %add3A_225 : i32 to index
        %get3A_275 = arith.constant 48 : index
        %get3A_276 = tpu.vector_load %arg13[%get3A_274, %get3A_275] {strides = array<i32>} : memref<80x64xf32, #tpu.memory_space<vmem>>, vector<1x16xf32>,
        %get3A_277 = vector.shape_cast %get3A_276 : vector<1x16xf32> to vector<16xf32>
        %get3A_278 = arith.index_cast %scan3A_221 : i32 to index
        %get3A_279 = arith.constant 48 : index
        %get3A_280 = tpu.vector_load %arg15[%get3A_278, %get3A_279] {strides = array<i32>} : memref<40x128xf32, #tpu.memory_space<vmem>>, vector<1x16xf32>,
        %get3A_281 = vector.shape_cast %get3A_280 : vector<1x16xf32> to vector<16xf32>
        %add3A_282 = arith.addf %get3A_277, %get3A_281 : vector<16xf32>
        %max3A_283 = arith.constant 0.000000e+00 : f32
        %max3A_284 = vector.broadcast %max3A_283 : f32 to vector<16xf32>
        %max3A_285 = arith.maximumf %add3A_282, %max3A_284 : vector<16xf32>
        %swap3A_286 = arith.index_cast %add3A_225 : i32 to index
        %swap3A_287 = arith.constant 48 : index
        %swap3A_288 = tpu.vector_load %arg13[%swap3A_286, %swap3A_287] {strides = array<i32>} : memref<80x64xf32, #tpu.memory_space<vmem>>, vector<1x16xf32>,
        %swap3A_289 = vector.shape_cast %swap3A_288 : vector<1x16xf32> to vector<16xf32>
        %swap3A_290 = vector.shape_cast %max3A_285 : vector<16xf32> to vector<1x16xf32>
        tpu.vector_store %arg13[%swap3A_286, %swap3A_287], %swap3A_290 {strides = array<i32>} : memref<80x64xf32, #tpu.memory_space<vmem>>, vector<1x16xf32>,
        %mul3A_291 = arith.constant 2 : i32
        %mul3A_292 = arith.muli %mul3A_291, %scan3A_221 : i32
        %add3A_293 = arith.constant 1 : i32
        %add3A_294 = arith.addi %mul3A_292, %add3A_293 : i32
        %get3A_295 = arith.index_cast %add3A_294 : i32 to index
        %get3A_296 = arith.constant 0 : index
        %get3A_297 = tpu.vector_load %arg13[%get3A_295, %get3A_296] {strides = array<i32>} : memref<80x64xf32, #tpu.memory_space<vmem>>, vector<1x16xf32>,
        %get3A_298 = vector.shape_cast %get3A_297 : vector<1x16xf32> to vector<16xf32>
        %get3A_299 = arith.index_cast %scan3A_221 : i32 to index
        %get3A_300 = arith.constant 64 : index
        %get3A_301 = tpu.vector_load %arg15[%get3A_299, %get3A_300] {strides = array<i32>} : memref<40x128xf32, #tpu.memory_space<vmem>>, vector<1x16xf32>,
        %get3A_302 = vector.shape_cast %get3A_301 : vector<1x16xf32> to vector<16xf32>
        %add3A_303 = arith.addf %get3A_298, %get3A_302 : vector<16xf32>
        %max3A_304 = arith.constant 0.000000e+00 : f32
        %max3A_305 = vector.broadcast %max3A_304 : f32 to vector<16xf32>
        %max3A_306 = arith.maximumf %add3A_303, %max3A_305 : vector<16xf32>
        %swap3A_307 = arith.index_cast %add3A_294 : i32 to index
        %swap3A_308 = arith.constant 0 : index
        %swap3A_309 = tpu.vector_load %arg13[%swap3A_307, %swap3A_308] {strides = array<i32>} : memref<80x64xf32, #tpu.memory_space<vmem>>, vector<1x16xf32>,
        %swap3A_310 = vector.shape_cast %swap3A_309 : vector<1x16xf32> to vector<16xf32>
        %swap3A_311 = vector.shape_cast %max3A_306 : vector<16xf32> to vector<1x16xf32>
        tpu.vector_store %arg13[%swap3A_307, %swap3A_308], %swap3A_311 {strides = array<i32>} : memref<80x64xf32, #tpu.memory_space<vmem>>, vector<1x16xf32>,
        %get3A_312 = arith.index_cast %add3A_294 : i32 to index
        %get3A_313 = arith.constant 16 : index
        %get3A_314 = tpu.vector_load %arg13[%get3A_312, %get3A_313] {strides = array<i32>} : memref<80x64xf32, #tpu.memory_space<vmem>>, vector<1x16xf32>,
        %get3A_315 = vector.shape_cast %get3A_314 : vector<1x16xf32> to vector<16xf32>
        %get3A_316 = arith.index_cast %scan3A_221 : i32 to index
        %get3A_317 = arith.constant 80 : index
        %get3A_318 = tpu.vector_load %arg15[%get3A_316, %get3A_317] {strides = array<i32>} : memref<40x128xf32, #tpu.memory_space<vmem>>, vector<1x16xf32>,
        %get3A_319 = vector.shape_cast %get3A_318 : vector<1x16xf32> to vector<16xf32>
        %add3A_320 = arith.addf %get3A_315, %get3A_319 : vector<16xf32>
        %max3A_321 = arith.constant 0.000000e+00 : f32
        %max3A_322 = vector.broadcast %max3A_321 : f32 to vector<16xf32>
        %max3A_323 = arith.maximumf %add3A_320, %max3A_322 : vector<16xf32>
        %swap3A_324 = arith.index_cast %add3A_294 : i32 to index
        %swap3A_325 = arith.constant 16 : index
        %swap3A_326 = tpu.vector_load %arg13[%swap3A_324, %swap3A_325] {strides = array<i32>} : memref<80x64xf32, #tpu.memory_space<vmem>>, vector<1x16xf32>,
        %swap3A_327 = vector.shape_cast %swap3A_326 : vector<1x16xf32> to vector<16xf32>
        %swap3A_328 = vector.shape_cast %max3A_323 : vector<16xf32> to vector<1x16xf32>
        tpu.vector_store %arg13[%swap3A_324, %swap3A_325], %swap3A_328 {strides = array<i32>} : memref<80x64xf32, #tpu.memory_space<vmem>>, vector<1x16xf32>,
        %get3A_329 = arith.index_cast %add3A_294 : i32 to index
        %get3A_330 = arith.constant 32 : index
        %get3A_331 = tpu.vector_load %arg13[%get3A_329, %get3A_330] {strides = array<i32>} : memref<80x64xf32, #tpu.memory_space<vmem>>, vector<1x16xf32>,
        %get3A_332 = vector.shape_cast %get3A_331 : vector<1x16xf32> to vector<16xf32>
        %get3A_333 = arith.index_cast %scan3A_221 : i32 to index
        %get3A_334 = arith.constant 96 : index
        %get3A_335 = tpu.vector_load %arg15[%get3A_333, %get3A_334] {strides = array<i32>} : memref<40x128xf32, #tpu.memory_space<vmem>>, vector<1x16xf32>,
        %get3A_336 = vector.shape_cast %get3A_335 : vector<1x16xf32> to vector<16xf32>
        %add3A_337 = arith.addf %get3A_332, %get3A_336 : vector<16xf32>
        %max3A_338 = arith.constant 0.000000e+00 : f32
        %max3A_339 = vector.broadcast %max3A_338 : f32 to vector<16xf32>
        %max3A_340 = arith.maximumf %add3A_337, %max3A_339 : vector<16xf32>
        %swap3A_341 = arith.index_cast %add3A_294 : i32 to index
        %swap3A_342 = arith.constant 32 : index
        %swap3A_343 = tpu.vector_load %arg13[%swap3A_341, %swap3A_342] {strides = array<i32>} : memref<80x64xf32, #tpu.memory_space<vmem>>, vector<1x16xf32>,
        %swap3A_344 = vector.shape_cast %swap3A_343 : vector<1x16xf32> to vector<16xf32>
        %swap3A_345 = vector.shape_cast %max3A_340 : vector<16xf32> to vector<1x16xf32>
        tpu.vector_store %arg13[%swap3A_341, %swap3A_342], %swap3A_345 {strides = array<i32>} : memref<80x64xf32, #tpu.memory_space<vmem>>, vector<1x16xf32>,
        %get3A_346 = arith.index_cast %add3A_294 : i32 to index
        %get3A_347 = arith.constant 48 : index
        %get3A_348 = tpu.vector_load %arg13[%get3A_346, %get3A_347] {strides = array<i32>} : memref<80x64xf32, #tpu.memory_space<vmem>>, vector<1x16xf32>,
        %get3A_349 = vector.shape_cast %get3A_348 : vector<1x16xf32> to vector<16xf32>
        %get3A_350 = arith.index_cast %scan3A_221 : i32 to index
        %get3A_351 = arith.constant 112 : index
        %get3A_352 = tpu.vector_load %arg15[%get3A_350, %get3A_351] {strides = array<i32>} : memref<40x128xf32, #tpu.memory_space<vmem>>, vector<1x16xf32>,
        %get3A_353 = vector.shape_cast %get3A_352 : vector<1x16xf32> to vector<16xf32>
        %add3A_354 = arith.addf %get3A_349, %get3A_353 : vector<16xf32>
        %max3A_355 = arith.constant 0.000000e+00 : f32
        %max3A_356 = vector.broadcast %max3A_355 : f32 to vector<16xf32>
        %max3A_357 = arith.maximumf %add3A_354, %max3A_356 : vector<16xf32>
        %swap3A_358 = arith.index_cast %add3A_294 : i32 to index
        %swap3A_359 = arith.constant 48 : index
        %swap3A_360 = tpu.vector_load %arg13[%swap3A_358, %swap3A_359] {strides = array<i32>} : memref<80x64xf32, #tpu.memory_space<vmem>>, vector<1x16xf32>,
        %swap3A_361 = vector.shape_cast %swap3A_360 : vector<1x16xf32> to vector<16xf32>
        %swap3A_362 = vector.shape_cast %max3A_357 : vector<16xf32> to vector<1x16xf32>
        tpu.vector_store %arg13[%swap3A_358, %swap3A_359], %swap3A_362 {strides = array<i32>} : memref<80x64xf32, #tpu.memory_space<vmem>>, vector<1x16xf32>,
      }
      %scan3A_172 = arith.constant 40 : i32
      %dma_start3A_173 = arith.constant 0 : i32
      %dma_start3A_174 = arith.constant 0 : i32
      %dma_start3A_175 = tpu.memref_slice %arg17[%dma_start3A_173, %dma_start3A_174] : memref<25088x64xf32, #tpu.memory_space<vmem_shared>> -> memref<25088x64xf32, #tpu.memory_space<vmem_shared>>
      tpu.enqueue_indirect_dma source(%arg13 : memref<80x64xf32, #tpu.memory_space<vmem>>) target(%dma_start3A_175 : memref<25088x64xf32, #tpu.memory_space<vmem_shared>>) offsets(%arg11 : memref<80xi32, #tpu.memory_space<vmem>>) semaphore(%arg24 : memref<!tpu.dma_semaphore, #tpu.memory_space<semaphore_mem>>) {add = true}
      %mul3A_176 = arith.constant 2 : i32
      %mul3A_177 = arith.muli %mul3A_176, %scan3A_130 : i32
      %add3A_178 = arith.constant 1 : i32
      %add3A_179 = arith.addi %mul3A_177, %add3A_178 : i32
      %scan3A_180 = arith.constant 0 : i32
      %scan3A_181 = arith.constant 0 : i32
      %scan3A_182 = arith.constant 5 : i32
      %scan3A_183 = arith.addi %scan3A_181, %scan3A_182 : i32
      %scan3A_184 = arith.constant 1 : i32
      scf.for %scan3A_221 = %scan3A_181 to %scan3A_183 step %scan3A_184  : i32 {
        %mul3A_222 = arith.constant 16 : i32
        %mul3A_223 = arith.muli %scan3A_221, %mul3A_222 : i32
        %get3A = arith.index_cast %mul3A_223 : i32 to index
        %get3A_224 = tpu.vector_load %arg10[%get3A] {strides = array<i32>} : memref<80xi32, #tpu.memory_space<vmem>>, vector<16xi32>,
        %get3A_225 = vector.shape_cast %get3A_224 : vector<16xi32> to vector<16xi32>
        %sub3A_226 = vector.broadcast %mul3A_12 : i32 to vector<16xi32>
        %sub3A_227 = arith.subi %get3A_225, %sub3A_226 : vector<16xi32>
        %ge3A = arith.constant 0 : i32
        %ge3A_228 = vector.broadcast %ge3A : i32 to vector<16xi32>
        %ge3A_229 = arith.cmpi sge, %sub3A_227, %ge3A_228 : vector<16xi32>
        %lt3A_230 = arith.constant 25000 : i32
        %lt3A_231 = vector.broadcast %lt3A_230 : i32 to vector<16xi32>
        %lt3A_232 = arith.cmpi slt, %sub3A_227, %lt3A_231 : vector<16xi32>
        %and3A_233 = arith.andi %ge3A_229, %lt3A_232 : vector<16xi1>
        %jit3A_234 = arith.constant 25000 : i32
        %broadcast_in_dim3A_235 = vector.broadcast %jit3A_234 : i32 to vector<16xi32>
        %select_n3A_236 = arith.select %and3A_233, %sub3A_227, %broadcast_in_dim3A_235 : vector<16xi1>, vector<16xi32>
        %mul3A_237 = arith.constant 16 : i32
        %mul3A_238 = arith.muli %scan3A_221, %mul3A_237 : i32
        %swap3A = arith.index_cast %mul3A_238 : i32 to index
        %swap3A_239 = tpu.vector_load %arg12[%swap3A] {strides = array<i32>} : memref<80xi32, #tpu.memory_space<vmem>>, vector<16xi32>,
        %swap3A_240 = vector.shape_cast %swap3A_239 : vector<16xi32> to vector<16xi32>
        %swap3A_241 = vector.shape_cast %select_n3A_236 : vector<16xi32> to vector<16xi32>
        tpu.vector_store %arg12[%swap3A], %swap3A_241 {strides = array<i32>} : memref<80xi32, #tpu.memory_space<vmem>>, vector<16xi32>,
      }
      %scan3A_185 = arith.constant 5 : i32
      %add3A_186 = arith.constant 1 : i32
      %add3A_187 = arith.addi %add3A_179, %add3A_186 : i32
      %lt3A_188 = arith.constant 624 : i32
      %lt3A_189 = arith.cmpi slt, %add3A_187, %lt3A_188 : i32
      %convert_element_type3A_190 = arith.extui %lt3A_189 : i1 to i32
      %cond3A_191 = arith.constant 0 : i32
      %cond3A_192 = arith.cmpi ne, %convert_element_type3A_190, %cond3A_191 : i32
      scf.if %cond3A_192 {
        %ge3A = arith.constant 1 : i32
        %ge3A_221 = arith.cmpi sge, %add3A_179, %ge3A : i32
        %convert_element_type3A_222 = arith.extui %ge3A_221 : i1 to i32
        %cond3A_223 = arith.constant 0 : i32
        %cond3A_224 = arith.cmpi ne, %convert_element_type3A_222, %cond3A_223 : i32
        scf.if %cond3A_224 {
          %dma_wait3A_269 = arith.constant 0 : i32
          %dma_wait3A_270 = arith.constant 0 : i32
          %dma_wait3A_271 = tpu.memref_slice %arg17[%dma_wait3A_269, %dma_wait3A_270] : memref<25088x64xf32, #tpu.memory_space<vmem_shared>> -> memref<80x64xf32, #tpu.memory_space<vmem_shared>>
          %dma_wait3A_272 = arith.constant 0 : i32
          %dma_wait3A_273 = arith.constant 0 : i32
          %dma_wait3A_274 = tpu.memref_slice %arg17[%dma_wait3A_272, %dma_wait3A_273] : memref<25088x64xf32, #tpu.memory_space<vmem_shared>> -> memref<80x64xf32, #tpu.memory_space<vmem_shared>>
          tpu.wait_dma2 semaphore(%arg24 : memref<!tpu.dma_semaphore, #tpu.memory_space<semaphore_mem>>) src(%arg13 : memref<80x64xf32, #tpu.memory_space<vmem>>) dst(%dma_wait3A_274 : memref<80x64xf32, #tpu.memory_space<vmem_shared>>)
        } else {
        }
        %dma_wait3A_225 = arith.constant 0 : i32
        %dma_wait3A_226 = tpu.memref_slice %arg4[%dma_wait3A_225] : memref<1600000xi32, #tpu.memory_space<hbm>> -> memref<80xi32, #tpu.memory_space<hbm>>
        %dma_wait3A_227 = arith.constant 0 : i32
        %dma_wait3A_228 = tpu.memref_slice %arg4[%dma_wait3A_227] : memref<1600000xi32, #tpu.memory_space<hbm>> -> memref<80xi32, #tpu.memory_space<hbm>>
        tpu.wait_dma2 semaphore(%arg18 : memref<!tpu.dma_semaphore, #tpu.memory_space<semaphore_mem>>) src(%dma_wait3A_228 : memref<80xi32, #tpu.memory_space<hbm>>) dst(%arg7 : memref<80xi32, #tpu.memory_space<vmem>>)
        %dma_wait3A_229 = arith.constant 0 : i32
        %dma_wait3A_230 = tpu.memref_slice %arg4[%dma_wait3A_229] : memref<1600000xi32, #tpu.memory_space<hbm>> -> memref<80xi32, #tpu.memory_space<hbm>>
        %dma_wait3A_231 = arith.constant 0 : i32
        %dma_wait3A_232 = tpu.memref_slice %arg4[%dma_wait3A_231] : memref<1600000xi32, #tpu.memory_space<hbm>> -> memref<80xi32, #tpu.memory_space<hbm>>
        tpu.wait_dma2 semaphore(%arg18 : memref<!tpu.dma_semaphore, #tpu.memory_space<semaphore_mem>>) src(%dma_wait3A_232 : memref<80xi32, #tpu.memory_space<hbm>>) dst(%arg9 : memref<80xi32, #tpu.memory_space<vmem>>)
        %dma_start3A_233 = arith.constant 0 : i32
        %dma_start3A_234 = arith.constant 0 : i32
        %dma_start3A_235 = tpu.memref_slice %arg2[%dma_start3A_233, %dma_start3A_234] : memref<50000x64xf32, #tpu.memory_space<hbm>> -> memref<50000x64xf32, #tpu.memory_space<hbm>>
        tpu.enqueue_indirect_dma source(%dma_start3A_235 : memref<50000x64xf32, #tpu.memory_space<hbm>>) target(%arg13 : memref<80x64xf32, #tpu.memory_space<vmem>>) offsets(%arg7 : memref<80xi32, #tpu.memory_space<vmem>>) semaphore(%arg20 : memref<!tpu.dma_semaphore, #tpu.memory_space<semaphore_mem>>)
        %add3A_236 = arith.constant 1 : i32
        %add3A_237 = arith.addi %add3A_179, %add3A_236 : i32
        %mul3A_238 = arith.constant 80 : i32
        %mul3A_239 = arith.muli %add3A_237, %mul3A_238 : i32
        %add3A_240 = arith.addi %mul3A_14, %mul3A_239 : i32
        %jit3A_241 = arith.constant 2 : i32
        %div3A_242 = arith.divsi %add3A_240, %jit3A_241 : i32
        %sign3A_243 = arith.constant 0 : i32
        %sign3A_244 = arith.cmpi sgt, %add3A_240, %sign3A_243 : i32
        %sign3A_245 = arith.extui %sign3A_244 : i1 to i32
        %sign3A_246 = arith.constant 0 : i32
        %sign3A_247 = arith.cmpi slt, %add3A_240, %sign3A_246 : i32
        %sign3A_248 = arith.extui %sign3A_247 : i1 to i32
        %sign3A_249 = arith.subi %sign3A_245, %sign3A_248 : i32
        %sign3A_250 = arith.constant 0 : i32
        %sign3A_251 = arith.cmpi sgt, %jit3A_241, %sign3A_250 : i32
        %sign3A_252 = arith.extui %sign3A_251 : i1 to i32
        %sign3A_253 = arith.constant 0 : i32
        %sign3A_254 = arith.cmpi slt, %jit3A_241, %sign3A_253 : i32
        %sign3A_255 = arith.extui %sign3A_254 : i1 to i32
        %sign3A_256 = arith.subi %sign3A_252, %sign3A_255 : i32
        %ne3A_257 = arith.cmpi ne, %sign3A_249, %sign3A_256 : i32
        %rem3A_258 = arith.remsi %add3A_240, %jit3A_241 : i32
        %ne3A_259 = arith.constant 0 : i32
        %ne3A_260 = arith.cmpi ne, %rem3A_258, %ne3A_259 : i32
        %and3A_261 = arith.andi %ne3A_257, %ne3A_260 : i1
        %sub3A_262 = arith.constant 1 : i32
        %sub3A_263 = arith.subi %div3A_242, %sub3A_262 : i32
        %select_n3A_264 = arith.select %and3A_261, %sub3A_263, %div3A_242 : i32
        %dma_start3A_265 = arith.constant 0 : i32
        %dma_start3A_266 = tpu.memref_slice %arg3[%select_n3A_264, %dma_start3A_265] : memref<400000x128xf32, #tpu.memory_space<hbm>> -> memref<40x128xf32, #tpu.memory_space<hbm>>
        %dma_start3A_267 = arith.constant 0 : i32
        %dma_start3A_268 = tpu.memref_slice %arg3[%select_n3A_264, %dma_start3A_267] : memref<400000x128xf32, #tpu.memory_space<hbm>> -> memref<40x128xf32, #tpu.memory_space<hbm>>
        tpu.enqueue_dma source(%dma_start3A_268 : memref<40x128xf32, #tpu.memory_space<hbm>>) target(%arg15 : memref<40x128xf32, #tpu.memory_space<vmem>>) target_semaphore(%arg22 : memref<!tpu.dma_semaphore, #tpu.memory_space<semaphore_mem>>)
      } else {
      }
      %dma_wait3A_193 = arith.constant 0 : i32
      %dma_wait3A_194 = arith.constant 0 : i32
      %dma_wait3A_195 = tpu.memref_slice %arg2[%dma_wait3A_193, %dma_wait3A_194] : memref<50000x64xf32, #tpu.memory_space<hbm>> -> memref<80x64xf32, #tpu.memory_space<hbm>>
      %dma_wait3A_196 = arith.constant 0 : i32
      %dma_wait3A_197 = arith.constant 0 : i32
      %dma_wait3A_198 = tpu.memref_slice %arg2[%dma_wait3A_196, %dma_wait3A_197] : memref<50000x64xf32, #tpu.memory_space<hbm>> -> memref<80x64xf32, #tpu.memory_space<hbm>>
      tpu.wait_dma2 semaphore(%arg21 : memref<!tpu.dma_semaphore, #tpu.memory_space<semaphore_mem>>) src(%dma_wait3A_198 : memref<80x64xf32, #tpu.memory_space<hbm>>) dst(%arg14 : memref<80x64xf32, #tpu.memory_space<vmem>>)
      %dma_wait3A_199 = arith.constant 0 : i32
      %dma_wait3A_200 = arith.constant 0 : i32
      %dma_wait3A_201 = tpu.memref_slice %arg3[%dma_wait3A_199, %dma_wait3A_200] : memref<400000x128xf32, #tpu.memory_space<hbm>> -> memref<40x128xf32, #tpu.memory_space<hbm>>
      %dma_wait3A_202 = arith.constant 0 : i32
      %dma_wait3A_203 = arith.constant 0 : i32
      %dma_wait3A_204 = tpu.memref_slice %arg3[%dma_wait3A_202, %dma_wait3A_203] : memref<400000x128xf32, #tpu.memory_space<hbm>> -> memref<40x128xf32, #tpu.memory_space<hbm>>
      tpu.wait_dma2 semaphore(%arg23 : memref<!tpu.dma_semaphore, #tpu.memory_space<semaphore_mem>>) src(%dma_wait3A_204 : memref<40x128xf32, #tpu.memory_space<hbm>>) dst(%arg16 : memref<40x128xf32, #tpu.memory_space<vmem>>)
      %add3A_205 = arith.constant 2 : i32
      %add3A_206 = arith.addi %add3A_179, %add3A_205 : i32
      %lt3A_207 = arith.constant 624 : i32
      %lt3A_208 = arith.cmpi slt, %add3A_206, %lt3A_207 : i32
      %convert_element_type3A_209 = arith.extui %lt3A_208 : i1 to i32
      %cond3A_210 = arith.constant 0 : i32
      %cond3A_211 = arith.cmpi ne, %convert_element_type3A_209, %cond3A_210 : i32
      scf.if %cond3A_211 {
        %add3A_221 = arith.constant 2 : i32
        %add3A_222 = arith.addi %add3A_179, %add3A_221 : i32
        %mul3A_223 = arith.constant 80 : i32
        %mul3A_224 = arith.muli %add3A_222, %mul3A_223 : i32
        %add3A_225 = arith.addi %mul3A_14, %mul3A_224 : i32
        %dma_start3A_226 = tpu.memref_slice %arg4[%add3A_225] : memref<1600000xi32, #tpu.memory_space<hbm>> -> memref<80xi32, #tpu.memory_space<hbm>>
        %dma_start3A_227 = tpu.memref_slice %arg4[%add3A_225] : memref<1600000xi32, #tpu.memory_space<hbm>> -> memref<80xi32, #tpu.memory_space<hbm>>
        tpu.enqueue_dma source(%dma_start3A_227 : memref<80xi32, #tpu.memory_space<hbm>>) target(%arg8 : memref<80xi32, #tpu.memory_space<vmem>>) target_semaphore(%arg19 : memref<!tpu.dma_semaphore, #tpu.memory_space<semaphore_mem>>)
        %add3A_228 = arith.constant 800000 : i32
        %add3A_229 = arith.addi %add3A_228, %add3A_225 : i32
        %dma_start3A_230 = tpu.memref_slice %arg4[%add3A_229] : memref<1600000xi32, #tpu.memory_space<hbm>> -> memref<80xi32, #tpu.memory_space<hbm>>
        %dma_start3A_231 = tpu.memref_slice %arg4[%add3A_229] : memref<1600000xi32, #tpu.memory_space<hbm>> -> memref<80xi32, #tpu.memory_space<hbm>>
        tpu.enqueue_dma source(%dma_start3A_231 : memref<80xi32, #tpu.memory_space<hbm>>) target(%arg10 : memref<80xi32, #tpu.memory_space<vmem>>) target_semaphore(%arg19 : memref<!tpu.dma_semaphore, #tpu.memory_space<semaphore_mem>>)
      } else {
      }
      %scan3A_212 = arith.constant 0 : i32
      %scan3A_213 = arith.constant 0 : i32
      %scan3A_214 = arith.constant 40 : i32
      %scan3A_215 = arith.addi %scan3A_213, %scan3A_214 : i32
      %scan3A_216 = arith.constant 1 : i32
      scf.for %scan3A_221 = %scan3A_213 to %scan3A_215 step %scan3A_216  : i32 {
        %mul3A_222 = arith.constant 2 : i32
        %mul3A_223 = arith.muli %mul3A_222, %scan3A_221 : i32
        %add3A_224 = arith.constant 0 : i32
        %add3A_225 = arith.addi %mul3A_223, %add3A_224 : i32
        %get3A = arith.index_cast %add3A_225 : i32 to index
        %get3A_226 = arith.constant 0 : index
        %get3A_227 = tpu.vector_load %arg14[%get3A, %get3A_226] {strides = array<i32>} : memref<80x64xf32, #tpu.memory_space<vmem>>, vector<1x16xf32>,
        %get3A_228 = vector.shape_cast %get3A_227 : vector<1x16xf32> to vector<16xf32>
        %get3A_229 = arith.index_cast %scan3A_221 : i32 to index
        %get3A_230 = arith.constant 0 : index
        %get3A_231 = tpu.vector_load %arg16[%get3A_229, %get3A_230] {strides = array<i32>} : memref<40x128xf32, #tpu.memory_space<vmem>>, vector<1x16xf32>,
        %get3A_232 = vector.shape_cast %get3A_231 : vector<1x16xf32> to vector<16xf32>
        %add3A_233 = arith.addf %get3A_228, %get3A_232 : vector<16xf32>
        %max3A = arith.constant 0.000000e+00 : f32
        %max3A_234 = vector.broadcast %max3A : f32 to vector<16xf32>
        %max3A_235 = arith.maximumf %add3A_233, %max3A_234 : vector<16xf32>
        %swap3A = arith.index_cast %add3A_225 : i32 to index
        %swap3A_236 = arith.constant 0 : index
        %swap3A_237 = tpu.vector_load %arg14[%swap3A, %swap3A_236] {strides = array<i32>} : memref<80x64xf32, #tpu.memory_space<vmem>>, vector<1x16xf32>,
        %swap3A_238 = vector.shape_cast %swap3A_237 : vector<1x16xf32> to vector<16xf32>
        %swap3A_239 = vector.shape_cast %max3A_235 : vector<16xf32> to vector<1x16xf32>
        tpu.vector_store %arg14[%swap3A, %swap3A_236], %swap3A_239 {strides = array<i32>} : memref<80x64xf32, #tpu.memory_space<vmem>>, vector<1x16xf32>,
        %get3A_240 = arith.index_cast %add3A_225 : i32 to index
        %get3A_241 = arith.constant 16 : index
        %get3A_242 = tpu.vector_load %arg14[%get3A_240, %get3A_241] {strides = array<i32>} : memref<80x64xf32, #tpu.memory_space<vmem>>, vector<1x16xf32>,
        %get3A_243 = vector.shape_cast %get3A_242 : vector<1x16xf32> to vector<16xf32>
        %get3A_244 = arith.index_cast %scan3A_221 : i32 to index
        %get3A_245 = arith.constant 16 : index
        %get3A_246 = tpu.vector_load %arg16[%get3A_244, %get3A_245] {strides = array<i32>} : memref<40x128xf32, #tpu.memory_space<vmem>>, vector<1x16xf32>,
        %get3A_247 = vector.shape_cast %get3A_246 : vector<1x16xf32> to vector<16xf32>
        %add3A_248 = arith.addf %get3A_243, %get3A_247 : vector<16xf32>
        %max3A_249 = arith.constant 0.000000e+00 : f32
        %max3A_250 = vector.broadcast %max3A_249 : f32 to vector<16xf32>
        %max3A_251 = arith.maximumf %add3A_248, %max3A_250 : vector<16xf32>
        %swap3A_252 = arith.index_cast %add3A_225 : i32 to index
        %swap3A_253 = arith.constant 16 : index
        %swap3A_254 = tpu.vector_load %arg14[%swap3A_252, %swap3A_253] {strides = array<i32>} : memref<80x64xf32, #tpu.memory_space<vmem>>, vector<1x16xf32>,
        %swap3A_255 = vector.shape_cast %swap3A_254 : vector<1x16xf32> to vector<16xf32>
        %swap3A_256 = vector.shape_cast %max3A_251 : vector<16xf32> to vector<1x16xf32>
        tpu.vector_store %arg14[%swap3A_252, %swap3A_253], %swap3A_256 {strides = array<i32>} : memref<80x64xf32, #tpu.memory_space<vmem>>, vector<1x16xf32>,
        %get3A_257 = arith.index_cast %add3A_225 : i32 to index
        %get3A_258 = arith.constant 32 : index
        %get3A_259 = tpu.vector_load %arg14[%get3A_257, %get3A_258] {strides = array<i32>} : memref<80x64xf32, #tpu.memory_space<vmem>>, vector<1x16xf32>,
        %get3A_260 = vector.shape_cast %get3A_259 : vector<1x16xf32> to vector<16xf32>
        %get3A_261 = arith.index_cast %scan3A_221 : i32 to index
        %get3A_262 = arith.constant 32 : index
        %get3A_263 = tpu.vector_load %arg16[%get3A_261, %get3A_262] {strides = array<i32>} : memref<40x128xf32, #tpu.memory_space<vmem>>, vector<1x16xf32>,
        %get3A_264 = vector.shape_cast %get3A_263 : vector<1x16xf32> to vector<16xf32>
        %add3A_265 = arith.addf %get3A_260, %get3A_264 : vector<16xf32>
        %max3A_266 = arith.constant 0.000000e+00 : f32
        %max3A_267 = vector.broadcast %max3A_266 : f32 to vector<16xf32>
        %max3A_268 = arith.maximumf %add3A_265, %max3A_267 : vector<16xf32>
        %swap3A_269 = arith.index_cast %add3A_225 : i32 to index
        %swap3A_270 = arith.constant 32 : index
        %swap3A_271 = tpu.vector_load %arg14[%swap3A_269, %swap3A_270] {strides = array<i32>} : memref<80x64xf32, #tpu.memory_space<vmem>>, vector<1x16xf32>,
        %swap3A_272 = vector.shape_cast %swap3A_271 : vector<1x16xf32> to vector<16xf32>
        %swap3A_273 = vector.shape_cast %max3A_268 : vector<16xf32> to vector<1x16xf32>
        tpu.vector_store %arg14[%swap3A_269, %swap3A_270], %swap3A_273 {strides = array<i32>} : memref<80x64xf32, #tpu.memory_space<vmem>>, vector<1x16xf32>,
        %get3A_274 = arith.index_cast %add3A_225 : i32 to index
        %get3A_275 = arith.constant 48 : index
        %get3A_276 = tpu.vector_load %arg14[%get3A_274, %get3A_275] {strides = array<i32>} : memref<80x64xf32, #tpu.memory_space<vmem>>, vector<1x16xf32>,
        %get3A_277 = vector.shape_cast %get3A_276 : vector<1x16xf32> to vector<16xf32>
        %get3A_278 = arith.index_cast %scan3A_221 : i32 to index
        %get3A_279 = arith.constant 48 : index
        %get3A_280 = tpu.vector_load %arg16[%get3A_278, %get3A_279] {strides = array<i32>} : memref<40x128xf32, #tpu.memory_space<vmem>>, vector<1x16xf32>,
        %get3A_281 = vector.shape_cast %get3A_280 : vector<1x16xf32> to vector<16xf32>
        %add3A_282 = arith.addf %get3A_277, %get3A_281 : vector<16xf32>
        %max3A_283 = arith.constant 0.000000e+00 : f32
        %max3A_284 = vector.broadcast %max3A_283 : f32 to vector<16xf32>
        %max3A_285 = arith.maximumf %add3A_282, %max3A_284 : vector<16xf32>
        %swap3A_286 = arith.index_cast %add3A_225 : i32 to index
        %swap3A_287 = arith.constant 48 : index
        %swap3A_288 = tpu.vector_load %arg14[%swap3A_286, %swap3A_287] {strides = array<i32>} : memref<80x64xf32, #tpu.memory_space<vmem>>, vector<1x16xf32>,
        %swap3A_289 = vector.shape_cast %swap3A_288 : vector<1x16xf32> to vector<16xf32>
        %swap3A_290 = vector.shape_cast %max3A_285 : vector<16xf32> to vector<1x16xf32>
        tpu.vector_store %arg14[%swap3A_286, %swap3A_287], %swap3A_290 {strides = array<i32>} : memref<80x64xf32, #tpu.memory_space<vmem>>, vector<1x16xf32>,
        %mul3A_291 = arith.constant 2 : i32
        %mul3A_292 = arith.muli %mul3A_291, %scan3A_221 : i32
        %add3A_293 = arith.constant 1 : i32
        %add3A_294 = arith.addi %mul3A_292, %add3A_293 : i32
        %get3A_295 = arith.index_cast %add3A_294 : i32 to index
        %get3A_296 = arith.constant 0 : index
        %get3A_297 = tpu.vector_load %arg14[%get3A_295, %get3A_296] {strides = array<i32>} : memref<80x64xf32, #tpu.memory_space<vmem>>, vector<1x16xf32>,
        %get3A_298 = vector.shape_cast %get3A_297 : vector<1x16xf32> to vector<16xf32>
        %get3A_299 = arith.index_cast %scan3A_221 : i32 to index
        %get3A_300 = arith.constant 64 : index
        %get3A_301 = tpu.vector_load %arg16[%get3A_299, %get3A_300] {strides = array<i32>} : memref<40x128xf32, #tpu.memory_space<vmem>>, vector<1x16xf32>,
        %get3A_302 = vector.shape_cast %get3A_301 : vector<1x16xf32> to vector<16xf32>
        %add3A_303 = arith.addf %get3A_298, %get3A_302 : vector<16xf32>
        %max3A_304 = arith.constant 0.000000e+00 : f32
        %max3A_305 = vector.broadcast %max3A_304 : f32 to vector<16xf32>
        %max3A_306 = arith.maximumf %add3A_303, %max3A_305 : vector<16xf32>
        %swap3A_307 = arith.index_cast %add3A_294 : i32 to index
        %swap3A_308 = arith.constant 0 : index
        %swap3A_309 = tpu.vector_load %arg14[%swap3A_307, %swap3A_308] {strides = array<i32>} : memref<80x64xf32, #tpu.memory_space<vmem>>, vector<1x16xf32>,
        %swap3A_310 = vector.shape_cast %swap3A_309 : vector<1x16xf32> to vector<16xf32>
        %swap3A_311 = vector.shape_cast %max3A_306 : vector<16xf32> to vector<1x16xf32>
        tpu.vector_store %arg14[%swap3A_307, %swap3A_308], %swap3A_311 {strides = array<i32>} : memref<80x64xf32, #tpu.memory_space<vmem>>, vector<1x16xf32>,
        %get3A_312 = arith.index_cast %add3A_294 : i32 to index
        %get3A_313 = arith.constant 16 : index
        %get3A_314 = tpu.vector_load %arg14[%get3A_312, %get3A_313] {strides = array<i32>} : memref<80x64xf32, #tpu.memory_space<vmem>>, vector<1x16xf32>,
        %get3A_315 = vector.shape_cast %get3A_314 : vector<1x16xf32> to vector<16xf32>
        %get3A_316 = arith.index_cast %scan3A_221 : i32 to index
        %get3A_317 = arith.constant 80 : index
        %get3A_318 = tpu.vector_load %arg16[%get3A_316, %get3A_317] {strides = array<i32>} : memref<40x128xf32, #tpu.memory_space<vmem>>, vector<1x16xf32>,
        %get3A_319 = vector.shape_cast %get3A_318 : vector<1x16xf32> to vector<16xf32>
        %add3A_320 = arith.addf %get3A_315, %get3A_319 : vector<16xf32>
        %max3A_321 = arith.constant 0.000000e+00 : f32
        %max3A_322 = vector.broadcast %max3A_321 : f32 to vector<16xf32>
        %max3A_323 = arith.maximumf %add3A_320, %max3A_322 : vector<16xf32>
        %swap3A_324 = arith.index_cast %add3A_294 : i32 to index
        %swap3A_325 = arith.constant 16 : index
        %swap3A_326 = tpu.vector_load %arg14[%swap3A_324, %swap3A_325] {strides = array<i32>} : memref<80x64xf32, #tpu.memory_space<vmem>>, vector<1x16xf32>,
        %swap3A_327 = vector.shape_cast %swap3A_326 : vector<1x16xf32> to vector<16xf32>
        %swap3A_328 = vector.shape_cast %max3A_323 : vector<16xf32> to vector<1x16xf32>
        tpu.vector_store %arg14[%swap3A_324, %swap3A_325], %swap3A_328 {strides = array<i32>} : memref<80x64xf32, #tpu.memory_space<vmem>>, vector<1x16xf32>,
        %get3A_329 = arith.index_cast %add3A_294 : i32 to index
        %get3A_330 = arith.constant 32 : index
        %get3A_331 = tpu.vector_load %arg14[%get3A_329, %get3A_330] {strides = array<i32>} : memref<80x64xf32, #tpu.memory_space<vmem>>, vector<1x16xf32>,
        %get3A_332 = vector.shape_cast %get3A_331 : vector<1x16xf32> to vector<16xf32>
        %get3A_333 = arith.index_cast %scan3A_221 : i32 to index
        %get3A_334 = arith.constant 96 : index
        %get3A_335 = tpu.vector_load %arg16[%get3A_333, %get3A_334] {strides = array<i32>} : memref<40x128xf32, #tpu.memory_space<vmem>>, vector<1x16xf32>,
        %get3A_336 = vector.shape_cast %get3A_335 : vector<1x16xf32> to vector<16xf32>
        %add3A_337 = arith.addf %get3A_332, %get3A_336 : vector<16xf32>
        %max3A_338 = arith.constant 0.000000e+00 : f32
        %max3A_339 = vector.broadcast %max3A_338 : f32 to vector<16xf32>
        %max3A_340 = arith.maximumf %add3A_337, %max3A_339 : vector<16xf32>
        %swap3A_341 = arith.index_cast %add3A_294 : i32 to index
        %swap3A_342 = arith.constant 32 : index
        %swap3A_343 = tpu.vector_load %arg14[%swap3A_341, %swap3A_342] {strides = array<i32>} : memref<80x64xf32, #tpu.memory_space<vmem>>, vector<1x16xf32>,
        %swap3A_344 = vector.shape_cast %swap3A_343 : vector<1x16xf32> to vector<16xf32>
        %swap3A_345 = vector.shape_cast %max3A_340 : vector<16xf32> to vector<1x16xf32>
        tpu.vector_store %arg14[%swap3A_341, %swap3A_342], %swap3A_345 {strides = array<i32>} : memref<80x64xf32, #tpu.memory_space<vmem>>, vector<1x16xf32>,
        %get3A_346 = arith.index_cast %add3A_294 : i32 to index
        %get3A_347 = arith.constant 48 : index
        %get3A_348 = tpu.vector_load %arg14[%get3A_346, %get3A_347] {strides = array<i32>} : memref<80x64xf32, #tpu.memory_space<vmem>>, vector<1x16xf32>,
        %get3A_349 = vector.shape_cast %get3A_348 : vector<1x16xf32> to vector<16xf32>
        %get3A_350 = arith.index_cast %scan3A_221 : i32 to index
        %get3A_351 = arith.constant 112 : index
        %get3A_352 = tpu.vector_load %arg16[%get3A_350, %get3A_351] {strides = array<i32>} : memref<40x128xf32, #tpu.memory_space<vmem>>, vector<1x16xf32>,
        %get3A_353 = vector.shape_cast %get3A_352 : vector<1x16xf32> to vector<16xf32>
        %add3A_354 = arith.addf %get3A_349, %get3A_353 : vector<16xf32>
        %max3A_355 = arith.constant 0.000000e+00 : f32
        %max3A_356 = vector.broadcast %max3A_355 : f32 to vector<16xf32>
        %max3A_357 = arith.maximumf %add3A_354, %max3A_356 : vector<16xf32>
        %swap3A_358 = arith.index_cast %add3A_294 : i32 to index
        %swap3A_359 = arith.constant 48 : index
        %swap3A_360 = tpu.vector_load %arg14[%swap3A_358, %swap3A_359] {strides = array<i32>} : memref<80x64xf32, #tpu.memory_space<vmem>>, vector<1x16xf32>,
        %swap3A_361 = vector.shape_cast %swap3A_360 : vector<1x16xf32> to vector<16xf32>
        %swap3A_362 = vector.shape_cast %max3A_357 : vector<16xf32> to vector<1x16xf32>
        tpu.vector_store %arg14[%swap3A_358, %swap3A_359], %swap3A_362 {strides = array<i32>} : memref<80x64xf32, #tpu.memory_space<vmem>>, vector<1x16xf32>,
      }
      %scan3A_217 = arith.constant 40 : i32
      %dma_start3A_218 = arith.constant 0 : i32
      %dma_start3A_219 = arith.constant 0 : i32
      %dma_start3A_220 = tpu.memref_slice %arg17[%dma_start3A_218, %dma_start3A_219] : memref<25088x64xf32, #tpu.memory_space<vmem_shared>> -> memref<25088x64xf32, #tpu.memory_space<vmem_shared>>
      tpu.enqueue_indirect_dma source(%arg14 : memref<80x64xf32, #tpu.memory_space<vmem>>) target(%dma_start3A_220 : memref<25088x64xf32, #tpu.memory_space<vmem_shared>>) offsets(%arg12 : memref<80xi32, #tpu.memory_space<vmem>>) semaphore(%arg25 : memref<!tpu.dma_semaphore, #tpu.memory_space<semaphore_mem>>) {add = true}
    }
    %scan3A_64 = arith.constant 312 : i32
    %dma_wait3A_65 = arith.constant 0 : i32
    %dma_wait3A_66 = arith.constant 0 : i32
    %dma_wait3A_67 = tpu.memref_slice %arg17[%dma_wait3A_65, %dma_wait3A_66] : memref<25088x64xf32, #tpu.memory_space<vmem_shared>> -> memref<80x64xf32, #tpu.memory_space<vmem_shared>>
    %dma_wait3A_68 = arith.constant 0 : i32
    %dma_wait3A_69 = arith.constant 0 : i32
    %dma_wait3A_70 = tpu.memref_slice %arg17[%dma_wait3A_68, %dma_wait3A_69] : memref<25088x64xf32, #tpu.memory_space<vmem_shared>> -> memref<80x64xf32, #tpu.memory_space<vmem_shared>>
    tpu.wait_dma2 semaphore(%arg24 : memref<!tpu.dma_semaphore, #tpu.memory_space<semaphore_mem>>) src(%arg13 : memref<80x64xf32, #tpu.memory_space<vmem>>) dst(%dma_wait3A_70 : memref<80x64xf32, #tpu.memory_space<vmem_shared>>)
    %dma_wait3A_71 = arith.constant 0 : i32
    %dma_wait3A_72 = arith.constant 0 : i32
    %dma_wait3A_73 = tpu.memref_slice %arg17[%dma_wait3A_71, %dma_wait3A_72] : memref<25088x64xf32, #tpu.memory_space<vmem_shared>> -> memref<80x64xf32, #tpu.memory_space<vmem_shared>>
    %dma_wait3A_74 = arith.constant 0 : i32
    %dma_wait3A_75 = arith.constant 0 : i32
    %dma_wait3A_76 = tpu.memref_slice %arg17[%dma_wait3A_74, %dma_wait3A_75] : memref<25088x64xf32, #tpu.memory_space<vmem_shared>> -> memref<80x64xf32, #tpu.memory_space<vmem_shared>>
    tpu.wait_dma2 semaphore(%arg25 : memref<!tpu.dma_semaphore, #tpu.memory_space<semaphore_mem>>) src(%arg14 : memref<80x64xf32, #tpu.memory_space<vmem>>) dst(%dma_wait3A_76 : memref<80x64xf32, #tpu.memory_space<vmem_shared>>)
    %add3A_77 = arith.constant 49920 : i32
    %add3A_78 = arith.addi %mul3A_14, %add3A_77 : i32
    "tpu.region"() ({
      %run_scoped3A = tpu.sem_alloc : memref<!tpu.dma_semaphore, #tpu.memory_space<semaphore_mem>>
      %dma_start3A_130 = tpu.memref_slice %arg4[%add3A_78] : memref<1600000xi32, #tpu.memory_space<hbm>> -> memref<80xi32, #tpu.memory_space<hbm>>
      %dma_start3A_131 = tpu.memref_slice %arg4[%add3A_78] : memref<1600000xi32, #tpu.memory_space<hbm>> -> memref<80xi32, #tpu.memory_space<hbm>>
      tpu.enqueue_dma source(%dma_start3A_131 : memref<80xi32, #tpu.memory_space<hbm>>) target(%arg7 : memref<80xi32, #tpu.memory_space<vmem>>) target_semaphore(%run_scoped3A : memref<!tpu.dma_semaphore, #tpu.memory_space<semaphore_mem>>)
      %dma_wait3A_132 = tpu.memref_slice %arg4[%add3A_78] : memref<1600000xi32, #tpu.memory_space<hbm>> -> memref<80xi32, #tpu.memory_space<hbm>>
      %dma_wait3A_133 = tpu.memref_slice %arg4[%add3A_78] : memref<1600000xi32, #tpu.memory_space<hbm>> -> memref<80xi32, #tpu.memory_space<hbm>>
      tpu.wait_dma2 semaphore(%run_scoped3A : memref<!tpu.dma_semaphore, #tpu.memory_space<semaphore_mem>>) src(%dma_wait3A_133 : memref<80xi32, #tpu.memory_space<hbm>>) dst(%arg7 : memref<80xi32, #tpu.memory_space<vmem>>)
      tpu.yield
    }) : () -> ()
    %dma_start3A_79 = arith.constant 0 : i32
    %dma_start3A_80 = arith.constant 0 : i32
    %dma_start3A_81 = tpu.memref_slice %arg2[%dma_start3A_79, %dma_start3A_80] : memref<50000x64xf32, #tpu.memory_space<hbm>> -> memref<50000x64xf32, #tpu.memory_space<hbm>>
    tpu.enqueue_indirect_dma source(%dma_start3A_81 : memref<50000x64xf32, #tpu.memory_space<hbm>>) target(%arg13 : memref<80x64xf32, #tpu.memory_space<vmem>>) offsets(%arg7 : memref<80xi32, #tpu.memory_space<vmem>>) semaphore(%arg20 : memref<!tpu.dma_semaphore, #tpu.memory_space<semaphore_mem>>)
    %add3A_82 = arith.constant 800000 : i32
    %add3A_83 = arith.addi %add3A_82, %add3A_78 : i32
    "tpu.region"() ({
      %run_scoped3A = tpu.sem_alloc : memref<!tpu.dma_semaphore, #tpu.memory_space<semaphore_mem>>
      %dma_start3A_130 = tpu.memref_slice %arg4[%add3A_83] : memref<1600000xi32, #tpu.memory_space<hbm>> -> memref<80xi32, #tpu.memory_space<hbm>>
      %dma_start3A_131 = tpu.memref_slice %arg4[%add3A_83] : memref<1600000xi32, #tpu.memory_space<hbm>> -> memref<80xi32, #tpu.memory_space<hbm>>
      tpu.enqueue_dma source(%dma_start3A_131 : memref<80xi32, #tpu.memory_space<hbm>>) target(%arg9 : memref<80xi32, #tpu.memory_space<vmem>>) target_semaphore(%run_scoped3A : memref<!tpu.dma_semaphore, #tpu.memory_space<semaphore_mem>>)
      %dma_wait3A_132 = tpu.memref_slice %arg4[%add3A_83] : memref<1600000xi32, #tpu.memory_space<hbm>> -> memref<80xi32, #tpu.memory_space<hbm>>
      %dma_wait3A_133 = tpu.memref_slice %arg4[%add3A_83] : memref<1600000xi32, #tpu.memory_space<hbm>> -> memref<80xi32, #tpu.memory_space<hbm>>
      tpu.wait_dma2 semaphore(%run_scoped3A : memref<!tpu.dma_semaphore, #tpu.memory_space<semaphore_mem>>) src(%dma_wait3A_133 : memref<80xi32, #tpu.memory_space<hbm>>) dst(%arg9 : memref<80xi32, #tpu.memory_space<vmem>>)
      tpu.yield
    }) : () -> ()
    %jit3A_84 = arith.constant 2 : i32
    %div3A_85 = arith.divsi %add3A_78, %jit3A_84 : i32
    %sign3A_86 = arith.constant 0 : i32
    %sign3A_87 = arith.cmpi sgt, %add3A_78, %sign3A_86 : i32
    %sign3A_88 = arith.extui %sign3A_87 : i1 to i32
    %sign3A_89 = arith.constant 0 : i32
    %sign3A_90 = arith.cmpi slt, %add3A_78, %sign3A_89 : i32
    %sign3A_91 = arith.extui %sign3A_90 : i1 to i32
    %sign3A_92 = arith.subi %sign3A_88, %sign3A_91 : i32
    %sign3A_93 = arith.constant 0 : i32
    %sign3A_94 = arith.cmpi sgt, %jit3A_84, %sign3A_93 : i32
    %sign3A_95 = arith.extui %sign3A_94 : i1 to i32
    %sign3A_96 = arith.constant 0 : i32
    %sign3A_97 = arith.cmpi slt, %jit3A_84, %sign3A_96 : i32
    %sign3A_98 = arith.extui %sign3A_97 : i1 to i32
    %sign3A_99 = arith.subi %sign3A_95, %sign3A_98 : i32
    %ne3A_100 = arith.cmpi ne, %sign3A_92, %sign3A_99 : i32
    %rem3A_101 = arith.remsi %add3A_78, %jit3A_84 : i32
    %ne3A_102 = arith.constant 0 : i32
    %ne3A_103 = arith.cmpi ne, %rem3A_101, %ne3A_102 : i32
    %and3A_104 = arith.andi %ne3A_100, %ne3A_103 : i1
    %sub3A_105 = arith.constant 1 : i32
    %sub3A_106 = arith.subi %div3A_85, %sub3A_105 : i32
    %select_n3A_107 = arith.select %and3A_104, %sub3A_106, %div3A_85 : i32
    "tpu.region"() ({
      %run_scoped3A = tpu.sem_alloc : memref<!tpu.dma_semaphore, #tpu.memory_space<semaphore_mem>>
      %dma_start3A_130 = arith.constant 0 : i32
      %dma_start3A_131 = tpu.memref_slice %arg3[%select_n3A_107, %dma_start3A_130] : memref<400000x128xf32, #tpu.memory_space<hbm>> -> memref<40x128xf32, #tpu.memory_space<hbm>>
      %dma_start3A_132 = arith.constant 0 : i32
      %dma_start3A_133 = tpu.memref_slice %arg3[%select_n3A_107, %dma_start3A_132] : memref<400000x128xf32, #tpu.memory_space<hbm>> -> memref<40x128xf32, #tpu.memory_space<hbm>>
      tpu.enqueue_dma source(%dma_start3A_133 : memref<40x128xf32, #tpu.memory_space<hbm>>) target(%arg15 : memref<40x128xf32, #tpu.memory_space<vmem>>) target_semaphore(%run_scoped3A : memref<!tpu.dma_semaphore, #tpu.memory_space<semaphore_mem>>)
      %dma_wait3A_134 = arith.constant 0 : i32
      %dma_wait3A_135 = tpu.memref_slice %arg3[%select_n3A_107, %dma_wait3A_134] : memref<400000x128xf32, #tpu.memory_space<hbm>> -> memref<40x128xf32, #tpu.memory_space<hbm>>
      %dma_wait3A_136 = arith.constant 0 : i32
      %dma_wait3A_137 = tpu.memref_slice %arg3[%select_n3A_107, %dma_wait3A_136] : memref<400000x128xf32, #tpu.memory_space<hbm>> -> memref<40x128xf32, #tpu.memory_space<hbm>>
      tpu.wait_dma2 semaphore(%run_scoped3A : memref<!tpu.dma_semaphore, #tpu.memory_space<semaphore_mem>>) src(%dma_wait3A_137 : memref<40x128xf32, #tpu.memory_space<hbm>>) dst(%arg15 : memref<40x128xf32, #tpu.memory_space<vmem>>)
      tpu.yield
    }) : () -> ()
    %scan3A_108 = arith.constant 0 : i32
    %scan3A_109 = arith.constant 0 : i32
    %scan3A_110 = arith.constant 5 : i32
    %scan3A_111 = arith.addi %scan3A_109, %scan3A_110 : i32
    %scan3A_112 = arith.constant 1 : i32
    scf.for %scan3A_130 = %scan3A_109 to %scan3A_111 step %scan3A_112  : i32 {
      %mul3A_131 = arith.constant 16 : i32
      %mul3A_132 = arith.muli %scan3A_130, %mul3A_131 : i32
      %get3A = arith.index_cast %mul3A_132 : i32 to index
      %get3A_133 = tpu.vector_load %arg9[%get3A] {strides = array<i32>} : memref<80xi32, #tpu.memory_space<vmem>>, vector<16xi32>,
      %get3A_134 = vector.shape_cast %get3A_133 : vector<16xi32> to vector<16xi32>
      %sub3A_135 = vector.broadcast %mul3A_12 : i32 to vector<16xi32>
      %sub3A_136 = arith.subi %get3A_134, %sub3A_135 : vector<16xi32>
      %ge3A = arith.constant 0 : i32
      %ge3A_137 = vector.broadcast %ge3A : i32 to vector<16xi32>
      %ge3A_138 = arith.cmpi sge, %sub3A_136, %ge3A_137 : vector<16xi32>
      %lt3A_139 = arith.constant 25000 : i32
      %lt3A_140 = vector.broadcast %lt3A_139 : i32 to vector<16xi32>
      %lt3A_141 = arith.cmpi slt, %sub3A_136, %lt3A_140 : vector<16xi32>
      %and3A_142 = arith.andi %ge3A_138, %lt3A_141 : vector<16xi1>
      %jit3A_143 = arith.constant 25000 : i32
      %broadcast_in_dim3A_144 = vector.broadcast %jit3A_143 : i32 to vector<16xi32>
      %select_n3A_145 = arith.select %and3A_142, %sub3A_136, %broadcast_in_dim3A_144 : vector<16xi1>, vector<16xi32>
      %mul3A_146 = arith.constant 16 : i32
      %mul3A_147 = arith.muli %scan3A_130, %mul3A_146 : i32
      %swap3A = arith.index_cast %mul3A_147 : i32 to index
      %swap3A_148 = tpu.vector_load %arg11[%swap3A] {strides = array<i32>} : memref<80xi32, #tpu.memory_space<vmem>>, vector<16xi32>,
      %swap3A_149 = vector.shape_cast %swap3A_148 : vector<16xi32> to vector<16xi32>
      %swap3A_150 = vector.shape_cast %select_n3A_145 : vector<16xi32> to vector<16xi32>
      tpu.vector_store %arg11[%swap3A], %swap3A_150 {strides = array<i32>} : memref<80xi32, #tpu.memory_space<vmem>>, vector<16xi32>,
    }
    %scan3A_113 = arith.constant 5 : i32
    %dma_wait3A_114 = arith.constant 0 : i32
    %dma_wait3A_115 = arith.constant 0 : i32
    %dma_wait3A_116 = tpu.memref_slice %arg2[%dma_wait3A_114, %dma_wait3A_115] : memref<50000x64xf32, #tpu.memory_space<hbm>> -> memref<50000x64xf32, #tpu.memory_space<hbm>>
    tpu.wait_indirect_dma semaphore(%arg20 : memref<!tpu.dma_semaphore, #tpu.memory_space<semaphore_mem>>) src(%dma_wait3A_116 : memref<50000x64xf32, #tpu.memory_space<hbm>>) dst(%arg13 : memref<80x64xf32, #tpu.memory_space<vmem>>)
    %scan3A_117 = arith.constant 0 : i32
    %scan3A_118 = arith.constant 0 : i32
    %scan3A_119 = arith.constant 40 : i32
    %scan3A_120 = arith.addi %scan3A_118, %scan3A_119 : i32
    %scan3A_121 = arith.constant 1 : i32
    scf.for %scan3A_130 = %scan3A_118 to %scan3A_120 step %scan3A_121  : i32 {
      %mul3A_131 = arith.constant 2 : i32
      %mul3A_132 = arith.muli %mul3A_131, %scan3A_130 : i32
      %add3A_133 = arith.constant 0 : i32
      %add3A_134 = arith.addi %mul3A_132, %add3A_133 : i32
      %get3A = arith.index_cast %add3A_134 : i32 to index
      %get3A_135 = arith.constant 0 : index
      %get3A_136 = tpu.vector_load %arg13[%get3A, %get3A_135] {strides = array<i32>} : memref<80x64xf32, #tpu.memory_space<vmem>>, vector<1x16xf32>,
      %get3A_137 = vector.shape_cast %get3A_136 : vector<1x16xf32> to vector<16xf32>
      %get3A_138 = arith.index_cast %scan3A_130 : i32 to index
      %get3A_139 = arith.constant 0 : index
      %get3A_140 = tpu.vector_load %arg15[%get3A_138, %get3A_139] {strides = array<i32>} : memref<40x128xf32, #tpu.memory_space<vmem>>, vector<1x16xf32>,
      %get3A_141 = vector.shape_cast %get3A_140 : vector<1x16xf32> to vector<16xf32>
      %add3A_142 = arith.addf %get3A_137, %get3A_141 : vector<16xf32>
      %max3A = arith.constant 0.000000e+00 : f32
      %max3A_143 = vector.broadcast %max3A : f32 to vector<16xf32>
      %max3A_144 = arith.maximumf %add3A_142, %max3A_143 : vector<16xf32>
      %swap3A = arith.index_cast %add3A_134 : i32 to index
      %swap3A_145 = arith.constant 0 : index
      %swap3A_146 = tpu.vector_load %arg13[%swap3A, %swap3A_145] {strides = array<i32>} : memref<80x64xf32, #tpu.memory_space<vmem>>, vector<1x16xf32>,
      %swap3A_147 = vector.shape_cast %swap3A_146 : vector<1x16xf32> to vector<16xf32>
      %swap3A_148 = vector.shape_cast %max3A_144 : vector<16xf32> to vector<1x16xf32>
      tpu.vector_store %arg13[%swap3A, %swap3A_145], %swap3A_148 {strides = array<i32>} : memref<80x64xf32, #tpu.memory_space<vmem>>, vector<1x16xf32>,
      %get3A_149 = arith.index_cast %add3A_134 : i32 to index
      %get3A_150 = arith.constant 16 : index
      %get3A_151 = tpu.vector_load %arg13[%get3A_149, %get3A_150] {strides = array<i32>} : memref<80x64xf32, #tpu.memory_space<vmem>>, vector<1x16xf32>,
      %get3A_152 = vector.shape_cast %get3A_151 : vector<1x16xf32> to vector<16xf32>
      %get3A_153 = arith.index_cast %scan3A_130 : i32 to index
      %get3A_154 = arith.constant 16 : index
      %get3A_155 = tpu.vector_load %arg15[%get3A_153, %get3A_154] {strides = array<i32>} : memref<40x128xf32, #tpu.memory_space<vmem>>, vector<1x16xf32>,
      %get3A_156 = vector.shape_cast %get3A_155 : vector<1x16xf32> to vector<16xf32>
      %add3A_157 = arith.addf %get3A_152, %get3A_156 : vector<16xf32>
      %max3A_158 = arith.constant 0.000000e+00 : f32
      %max3A_159 = vector.broadcast %max3A_158 : f32 to vector<16xf32>
      %max3A_160 = arith.maximumf %add3A_157, %max3A_159 : vector<16xf32>
      %swap3A_161 = arith.index_cast %add3A_134 : i32 to index
      %swap3A_162 = arith.constant 16 : index
      %swap3A_163 = tpu.vector_load %arg13[%swap3A_161, %swap3A_162] {strides = array<i32>} : memref<80x64xf32, #tpu.memory_space<vmem>>, vector<1x16xf32>,
      %swap3A_164 = vector.shape_cast %swap3A_163 : vector<1x16xf32> to vector<16xf32>
      %swap3A_165 = vector.shape_cast %max3A_160 : vector<16xf32> to vector<1x16xf32>
      tpu.vector_store %arg13[%swap3A_161, %swap3A_162], %swap3A_165 {strides = array<i32>} : memref<80x64xf32, #tpu.memory_space<vmem>>, vector<1x16xf32>,
      %get3A_166 = arith.index_cast %add3A_134 : i32 to index
      %get3A_167 = arith.constant 32 : index
      %get3A_168 = tpu.vector_load %arg13[%get3A_166, %get3A_167] {strides = array<i32>} : memref<80x64xf32, #tpu.memory_space<vmem>>, vector<1x16xf32>,
      %get3A_169 = vector.shape_cast %get3A_168 : vector<1x16xf32> to vector<16xf32>
      %get3A_170 = arith.index_cast %scan3A_130 : i32 to index
      %get3A_171 = arith.constant 32 : index
      %get3A_172 = tpu.vector_load %arg15[%get3A_170, %get3A_171] {strides = array<i32>} : memref<40x128xf32, #tpu.memory_space<vmem>>, vector<1x16xf32>,
      %get3A_173 = vector.shape_cast %get3A_172 : vector<1x16xf32> to vector<16xf32>
      %add3A_174 = arith.addf %get3A_169, %get3A_173 : vector<16xf32>
      %max3A_175 = arith.constant 0.000000e+00 : f32
      %max3A_176 = vector.broadcast %max3A_175 : f32 to vector<16xf32>
      %max3A_177 = arith.maximumf %add3A_174, %max3A_176 : vector<16xf32>
      %swap3A_178 = arith.index_cast %add3A_134 : i32 to index
      %swap3A_179 = arith.constant 32 : index
      %swap3A_180 = tpu.vector_load %arg13[%swap3A_178, %swap3A_179] {strides = array<i32>} : memref<80x64xf32, #tpu.memory_space<vmem>>, vector<1x16xf32>,
      %swap3A_181 = vector.shape_cast %swap3A_180 : vector<1x16xf32> to vector<16xf32>
      %swap3A_182 = vector.shape_cast %max3A_177 : vector<16xf32> to vector<1x16xf32>
      tpu.vector_store %arg13[%swap3A_178, %swap3A_179], %swap3A_182 {strides = array<i32>} : memref<80x64xf32, #tpu.memory_space<vmem>>, vector<1x16xf32>,
      %get3A_183 = arith.index_cast %add3A_134 : i32 to index
      %get3A_184 = arith.constant 48 : index
      %get3A_185 = tpu.vector_load %arg13[%get3A_183, %get3A_184] {strides = array<i32>} : memref<80x64xf32, #tpu.memory_space<vmem>>, vector<1x16xf32>,
      %get3A_186 = vector.shape_cast %get3A_185 : vector<1x16xf32> to vector<16xf32>
      %get3A_187 = arith.index_cast %scan3A_130 : i32 to index
      %get3A_188 = arith.constant 48 : index
      %get3A_189 = tpu.vector_load %arg15[%get3A_187, %get3A_188] {strides = array<i32>} : memref<40x128xf32, #tpu.memory_space<vmem>>, vector<1x16xf32>,
      %get3A_190 = vector.shape_cast %get3A_189 : vector<1x16xf32> to vector<16xf32>
      %add3A_191 = arith.addf %get3A_186, %get3A_190 : vector<16xf32>
      %max3A_192 = arith.constant 0.000000e+00 : f32
      %max3A_193 = vector.broadcast %max3A_192 : f32 to vector<16xf32>
      %max3A_194 = arith.maximumf %add3A_191, %max3A_193 : vector<16xf32>
      %swap3A_195 = arith.index_cast %add3A_134 : i32 to index
      %swap3A_196 = arith.constant 48 : index
      %swap3A_197 = tpu.vector_load %arg13[%swap3A_195, %swap3A_196] {strides = array<i32>} : memref<80x64xf32, #tpu.memory_space<vmem>>, vector<1x16xf32>,
      %swap3A_198 = vector.shape_cast %swap3A_197 : vector<1x16xf32> to vector<16xf32>
      %swap3A_199 = vector.shape_cast %max3A_194 : vector<16xf32> to vector<1x16xf32>
      tpu.vector_store %arg13[%swap3A_195, %swap3A_196], %swap3A_199 {strides = array<i32>} : memref<80x64xf32, #tpu.memory_space<vmem>>, vector<1x16xf32>,
      %mul3A_200 = arith.constant 2 : i32
      %mul3A_201 = arith.muli %mul3A_200, %scan3A_130 : i32
      %add3A_202 = arith.constant 1 : i32
      %add3A_203 = arith.addi %mul3A_201, %add3A_202 : i32
      %get3A_204 = arith.index_cast %add3A_203 : i32 to index
      %get3A_205 = arith.constant 0 : index
      %get3A_206 = tpu.vector_load %arg13[%get3A_204, %get3A_205] {strides = array<i32>} : memref<80x64xf32, #tpu.memory_space<vmem>>, vector<1x16xf32>,
      %get3A_207 = vector.shape_cast %get3A_206 : vector<1x16xf32> to vector<16xf32>
      %get3A_208 = arith.index_cast %scan3A_130 : i32 to index
      %get3A_209 = arith.constant 64 : index
      %get3A_210 = tpu.vector_load %arg15[%get3A_208, %get3A_209] {strides = array<i32>} : memref<40x128xf32, #tpu.memory_space<vmem>>, vector<1x16xf32>,
      %get3A_211 = vector.shape_cast %get3A_210 : vector<1x16xf32> to vector<16xf32>
      %add3A_212 = arith.addf %get3A_207, %get3A_211 : vector<16xf32>
      %max3A_213 = arith.constant 0.000000e+00 : f32
      %max3A_214 = vector.broadcast %max3A_213 : f32 to vector<16xf32>
      %max3A_215 = arith.maximumf %add3A_212, %max3A_214 : vector<16xf32>
      %swap3A_216 = arith.index_cast %add3A_203 : i32 to index
      %swap3A_217 = arith.constant 0 : index
      %swap3A_218 = tpu.vector_load %arg13[%swap3A_216, %swap3A_217] {strides = array<i32>} : memref<80x64xf32, #tpu.memory_space<vmem>>, vector<1x16xf32>,
      %swap3A_219 = vector.shape_cast %swap3A_218 : vector<1x16xf32> to vector<16xf32>
      %swap3A_220 = vector.shape_cast %max3A_215 : vector<16xf32> to vector<1x16xf32>
      tpu.vector_store %arg13[%swap3A_216, %swap3A_217], %swap3A_220 {strides = array<i32>} : memref<80x64xf32, #tpu.memory_space<vmem>>, vector<1x16xf32>,
      %get3A_221 = arith.index_cast %add3A_203 : i32 to index
      %get3A_222 = arith.constant 16 : index
      %get3A_223 = tpu.vector_load %arg13[%get3A_221, %get3A_222] {strides = array<i32>} : memref<80x64xf32, #tpu.memory_space<vmem>>, vector<1x16xf32>,
      %get3A_224 = vector.shape_cast %get3A_223 : vector<1x16xf32> to vector<16xf32>
      %get3A_225 = arith.index_cast %scan3A_130 : i32 to index
      %get3A_226 = arith.constant 80 : index
      %get3A_227 = tpu.vector_load %arg15[%get3A_225, %get3A_226] {strides = array<i32>} : memref<40x128xf32, #tpu.memory_space<vmem>>, vector<1x16xf32>,
      %get3A_228 = vector.shape_cast %get3A_227 : vector<1x16xf32> to vector<16xf32>
      %add3A_229 = arith.addf %get3A_224, %get3A_228 : vector<16xf32>
      %max3A_230 = arith.constant 0.000000e+00 : f32
      %max3A_231 = vector.broadcast %max3A_230 : f32 to vector<16xf32>
      %max3A_232 = arith.maximumf %add3A_229, %max3A_231 : vector<16xf32>
      %swap3A_233 = arith.index_cast %add3A_203 : i32 to index
      %swap3A_234 = arith.constant 16 : index
      %swap3A_235 = tpu.vector_load %arg13[%swap3A_233, %swap3A_234] {strides = array<i32>} : memref<80x64xf32, #tpu.memory_space<vmem>>, vector<1x16xf32>,
      %swap3A_236 = vector.shape_cast %swap3A_235 : vector<1x16xf32> to vector<16xf32>
      %swap3A_237 = vector.shape_cast %max3A_232 : vector<16xf32> to vector<1x16xf32>
      tpu.vector_store %arg13[%swap3A_233, %swap3A_234], %swap3A_237 {strides = array<i32>} : memref<80x64xf32, #tpu.memory_space<vmem>>, vector<1x16xf32>,
      %get3A_238 = arith.index_cast %add3A_203 : i32 to index
      %get3A_239 = arith.constant 32 : index
      %get3A_240 = tpu.vector_load %arg13[%get3A_238, %get3A_239] {strides = array<i32>} : memref<80x64xf32, #tpu.memory_space<vmem>>, vector<1x16xf32>,
      %get3A_241 = vector.shape_cast %get3A_240 : vector<1x16xf32> to vector<16xf32>
      %get3A_242 = arith.index_cast %scan3A_130 : i32 to index
      %get3A_243 = arith.constant 96 : index
      %get3A_244 = tpu.vector_load %arg15[%get3A_242, %get3A_243] {strides = array<i32>} : memref<40x128xf32, #tpu.memory_space<vmem>>, vector<1x16xf32>,
      %get3A_245 = vector.shape_cast %get3A_244 : vector<1x16xf32> to vector<16xf32>
      %add3A_246 = arith.addf %get3A_241, %get3A_245 : vector<16xf32>
      %max3A_247 = arith.constant 0.000000e+00 : f32
      %max3A_248 = vector.broadcast %max3A_247 : f32 to vector<16xf32>
      %max3A_249 = arith.maximumf %add3A_246, %max3A_248 : vector<16xf32>
      %swap3A_250 = arith.index_cast %add3A_203 : i32 to index
      %swap3A_251 = arith.constant 32 : index
      %swap3A_252 = tpu.vector_load %arg13[%swap3A_250, %swap3A_251] {strides = array<i32>} : memref<80x64xf32, #tpu.memory_space<vmem>>, vector<1x16xf32>,
      %swap3A_253 = vector.shape_cast %swap3A_252 : vector<1x16xf32> to vector<16xf32>
      %swap3A_254 = vector.shape_cast %max3A_249 : vector<16xf32> to vector<1x16xf32>
      tpu.vector_store %arg13[%swap3A_250, %swap3A_251], %swap3A_254 {strides = array<i32>} : memref<80x64xf32, #tpu.memory_space<vmem>>, vector<1x16xf32>,
      %get3A_255 = arith.index_cast %add3A_203 : i32 to index
      %get3A_256 = arith.constant 48 : index
      %get3A_257 = tpu.vector_load %arg13[%get3A_255, %get3A_256] {strides = array<i32>} : memref<80x64xf32, #tpu.memory_space<vmem>>, vector<1x16xf32>,
      %get3A_258 = vector.shape_cast %get3A_257 : vector<1x16xf32> to vector<16xf32>
      %get3A_259 = arith.index_cast %scan3A_130 : i32 to index
      %get3A_260 = arith.constant 112 : index
      %get3A_261 = tpu.vector_load %arg15[%get3A_259, %get3A_260] {strides = array<i32>} : memref<40x128xf32, #tpu.memory_space<vmem>>, vector<1x16xf32>,
      %get3A_262 = vector.shape_cast %get3A_261 : vector<1x16xf32> to vector<16xf32>
      %add3A_263 = arith.addf %get3A_258, %get3A_262 : vector<16xf32>
      %max3A_264 = arith.constant 0.000000e+00 : f32
      %max3A_265 = vector.broadcast %max3A_264 : f32 to vector<16xf32>
      %max3A_266 = arith.maximumf %add3A_263, %max3A_265 : vector<16xf32>
      %swap3A_267 = arith.index_cast %add3A_203 : i32 to index
      %swap3A_268 = arith.constant 48 : index
      %swap3A_269 = tpu.vector_load %arg13[%swap3A_267, %swap3A_268] {strides = array<i32>} : memref<80x64xf32, #tpu.memory_space<vmem>>, vector<1x16xf32>,
      %swap3A_270 = vector.shape_cast %swap3A_269 : vector<1x16xf32> to vector<16xf32>
      %swap3A_271 = vector.shape_cast %max3A_266 : vector<16xf32> to vector<1x16xf32>
      tpu.vector_store %arg13[%swap3A_267, %swap3A_268], %swap3A_271 {strides = array<i32>} : memref<80x64xf32, #tpu.memory_space<vmem>>, vector<1x16xf32>,
    }
    %scan3A_122 = arith.constant 40 : i32
    "tpu.region"() ({
      %run_scoped3A = tpu.sem_alloc : memref<!tpu.dma_semaphore, #tpu.memory_space<semaphore_mem>>
      %dma_start3A_130 = arith.constant 0 : i32
      %dma_start3A_131 = arith.constant 0 : i32
      %dma_start3A_132 = tpu.memref_slice %arg17[%dma_start3A_130, %dma_start3A_131] : memref<25088x64xf32, #tpu.memory_space<vmem_shared>> -> memref<25088x64xf32, #tpu.memory_space<vmem_shared>>
      tpu.enqueue_indirect_dma source(%arg13 : memref<80x64xf32, #tpu.memory_space<vmem>>) target(%dma_start3A_132 : memref<25088x64xf32, #tpu.memory_space<vmem_shared>>) offsets(%arg11 : memref<80xi32, #tpu.memory_space<vmem>>) semaphore(%run_scoped3A : memref<!tpu.dma_semaphore, #tpu.memory_space<semaphore_mem>>) {add = true}
      %dma_wait3A_133 = arith.constant 0 : i32
      %dma_wait3A_134 = arith.constant 0 : i32
      %dma_wait3A_135 = tpu.memref_slice %arg17[%dma_wait3A_133, %dma_wait3A_134] : memref<25088x64xf32, #tpu.memory_space<vmem_shared>> -> memref<25088x64xf32, #tpu.memory_space<vmem_shared>>
      tpu.wait_indirect_dma semaphore(%run_scoped3A : memref<!tpu.dma_semaphore, #tpu.memory_space<semaphore_mem>>) src(%arg13 : memref<80x64xf32, #tpu.memory_space<vmem>>) dst(%dma_wait3A_135 : memref<25088x64xf32, #tpu.memory_space<vmem_shared>>)
      tpu.yield
    }) : () -> ()
    %barrier3A_123 = arith.constant 0 : index
    tpu.barrier barrier_id(%barrier3A_123)
    %lt3A = arith.constant 15 : i32
    %lt3A_124 = arith.cmpi slt, %arg1, %lt3A : i32
    %convert_element_type3A = arith.extui %lt3A_124 : i1 to i32
    %cond3A = arith.constant 0 : i32
    %cond3A_125 = arith.cmpi ne, %convert_element_type3A, %cond3A : i32
    scf.if %cond3A_125 {
      %mul3A_130 = arith.constant 1568 : i32
      %mul3A_131 = arith.muli %arg1, %mul3A_130 : i32
      %mul3A_132 = arith.constant 25000 : i32
      %mul3A_133 = arith.muli %arg0, %mul3A_132 : i32
      %mul3A_134 = arith.constant 1568 : i32
      %mul3A_135 = arith.muli %arg1, %mul3A_134 : i32
      %add3A_136 = arith.addi %mul3A_133, %mul3A_135 : i32
      "tpu.region"() ({
        %run_scoped3A = tpu.sem_alloc : memref<!tpu.dma_semaphore, #tpu.memory_space<semaphore_mem>>
        %dma_start3A_137 = arith.constant 0 : i32
        %dma_start3A_138 = tpu.memref_slice %arg5[%add3A_136, %dma_start3A_137] : memref<50000x64xf32, #tpu.memory_space<hbm>> -> memref<1568x64xf32, #tpu.memory_space<hbm>>
        %dma_start3A_139 = arith.constant 0 : i32
        %dma_start3A_140 = tpu.memref_slice %arg17[%mul3A_131, %dma_start3A_139] : memref<25088x64xf32, #tpu.memory_space<vmem_shared>> -> memref<1568x64xf32, #tpu.memory_space<vmem_shared>>
        tpu.enqueue_dma source(%dma_start3A_140 : memref<1568x64xf32, #tpu.memory_space<vmem_shared>>) target(%dma_start3A_138 : memref<1568x64xf32, #tpu.memory_space<hbm>>) target_semaphore(%run_scoped3A : memref<!tpu.dma_semaphore, #tpu.memory_space<semaphore_mem>>)
        %dma_wait3A_141 = arith.constant 0 : i32
        %dma_wait3A_142 = tpu.memref_slice %arg5[%add3A_136, %dma_wait3A_141] : memref<50000x64xf32, #tpu.memory_space<hbm>> -> memref<1568x64xf32, #tpu.memory_space<hbm>>
        %dma_wait3A_143 = arith.constant 0 : i32
        %dma_wait3A_144 = tpu.memref_slice %arg17[%mul3A_131, %dma_wait3A_143] : memref<25088x64xf32, #tpu.memory_space<vmem_shared>> -> memref<1568x64xf32, #tpu.memory_space<vmem_shared>>
        tpu.wait_dma2 semaphore(%run_scoped3A : memref<!tpu.dma_semaphore, #tpu.memory_space<semaphore_mem>>) src(%dma_wait3A_144 : memref<1568x64xf32, #tpu.memory_space<vmem_shared>>) dst(%dma_wait3A_142 : memref<1568x64xf32, #tpu.memory_space<hbm>>)
        tpu.yield
      }) : () -> ()
    } else {
    }
    %eq3A = arith.constant 15 : i32
    %eq3A_126 = arith.cmpi eq, %arg1, %eq3A : i32
    %convert_element_type3A_127 = arith.extui %eq3A_126 : i1 to i32
    %cond3A_128 = arith.constant 0 : i32
    %cond3A_129 = arith.cmpi ne, %convert_element_type3A_127, %cond3A_128 : i32
    scf.if %cond3A_129 {
      %mul3A_130 = arith.constant 25000 : i32
      %mul3A_131 = arith.muli %arg0, %mul3A_130 : i32
      %add3A_132 = arith.constant 23520 : i32
      %add3A_133 = arith.addi %mul3A_131, %add3A_132 : i32
      "tpu.region"() ({
        %run_scoped3A = tpu.sem_alloc : memref<!tpu.dma_semaphore, #tpu.memory_space<semaphore_mem>>
        %dma_start3A_134 = arith.constant 0 : i32
        %dma_start3A_135 = tpu.memref_slice %arg5[%add3A_133, %dma_start3A_134] : memref<50000x64xf32, #tpu.memory_space<hbm>> -> memref<1480x64xf32, #tpu.memory_space<hbm>>
        %dma_start3A_136 = arith.constant 23520 : i32
        %dma_start3A_137 = arith.constant 0 : i32
        %dma_start3A_138 = tpu.memref_slice %arg17[%dma_start3A_136, %dma_start3A_137] : memref<25088x64xf32, #tpu.memory_space<vmem_shared>> -> memref<1480x64xf32, #tpu.memory_space<vmem_shared>>
        tpu.enqueue_dma source(%dma_start3A_138 : memref<1480x64xf32, #tpu.memory_space<vmem_shared>>) target(%dma_start3A_135 : memref<1480x64xf32, #tpu.memory_space<hbm>>) target_semaphore(%run_scoped3A : memref<!tpu.dma_semaphore, #tpu.memory_space<semaphore_mem>>)
        %dma_wait3A_139 = arith.constant 0 : i32
        %dma_wait3A_140 = tpu.memref_slice %arg5[%add3A_133, %dma_wait3A_139] : memref<50000x64xf32, #tpu.memory_space<hbm>> -> memref<1480x64xf32, #tpu.memory_space<hbm>>
        %dma_wait3A_141 = arith.constant 23520 : i32
        %dma_wait3A_142 = arith.constant 0 : i32
        %dma_wait3A_143 = tpu.memref_slice %arg17[%dma_wait3A_141, %dma_wait3A_142] : memref<25088x64xf32, #tpu.memory_space<vmem_shared>> -> memref<1480x64xf32, #tpu.memory_space<vmem_shared>>
        tpu.wait_dma2 semaphore(%run_scoped3A : memref<!tpu.dma_semaphore, #tpu.memory_space<semaphore_mem>>) src(%dma_wait3A_143 : memref<1480x64xf32, #tpu.memory_space<vmem_shared>>) dst(%dma_wait3A_140 : memref<1480x64xf32, #tpu.memory_space<hbm>>)
        tpu.yield
      }) : () -> ()
    } else {
    }
    return
  }
}

</mosaic_0001>

<sc_bundles>
// kernel: _sc_scatter.3.cloned.1.call-start
scs
__scs_entry_jumppad:
0x0: {  	(pc) =	sbr.rel $0x88, $3  }
0x1: {  	(tag) =	ssettag $0x0;
	lr =	simm.s32 $0x1  }
0x2: {  	[smem:$0x3F9E] =	sst lr;
	_ =	strace $0xD0000000  }
0x3: {  	_ = 	snop  }
0x4: {  	_ = 	snop  }
0x5: {  	_ = 	snop  }
0x6: {  	_ = 	snop  }
0x7: {  	_ = 	snop  }
__scs_overlays_trampoline_lowered:
0x8: {  	[smem:$0x3FAD] =	sst s0  }
0x9: {  	[smem:$0x3FAE] =	sst s1  }
0xa: {  	[smem:$0x3FAF] =	sst s2  }
0xb: {  	[smem:$0x3FB0] =	sst s3  }
0xc: {  	[smem:$0x3FB1] =	sst s4  }
0xd: {  	[smem:$0x3FB2] =	sst s5  }
0xe: {  	[smem:$0x3FB3] =	sst s6  }
0xf: {  	[smem:$0x3FB4] =	sst s7  }
0x10: {  	[smem:$0x3FB5] =	sst s8  }
0x11: {  	[smem:$0x3FB6] =	sst s9;
	s0 =	simm.s32 @!p0 $0x0  }
0x12: {  	s1 =	sld [smem:$0x3F9C];
	s0 =	simm.s32 @p0 $0x1  }
0x13: {  	[smem:$0x3FB7] =	sst s0;
	s0 =	simm.s32 @!p1 $0x0  }
0x14: {  	s2 =	sld [smem:$0x3F9B];
	s0 =	simm.s32 @p1 $0x1  }
0x15: {  	[smem:$0x3FB8] =	sst s0;
	s0 =	simm.s32 @!p2 $0x0  }
0x16: {  	s3 =	sld [smem:$0x3FDB];
	s0 =	simm.s32 @p2 $0x1  }
0x17: {  	s4 =	simm.s32 $0x1BF5;
	[smem:$0x3FBA] =	sst s0  }
0x18: {  	s0 =	sld [smem:$0x3F9D];
	_ =	swait.ge [sflag:s4], $0x0  }
0x19: {  	s7 =	sld [smem:$0x3F9E]  }
0x1a: {  	s8 =	sadd.s32 $0xFFFFE003, lr  }
0x1b: {  	s9 =	sadd.s32 $0xFFFFFEF7, lr;
	s5 =	simm.s32 $0xFFFFFFFF;
	p2 =	slt.u32 s8, $0xFFFFF086  }
0x1c: {  	p1 =	slt.u32 s9, $0xF7A;
	s5 =	simm.s32 @!p2 $0x0  }
0x1d: {  	s5 =	simm.s32 @p1 $0x1;
	p0 =	seq.s32 s7, s2  }
0x1e: {  	s7 =	smul.u32 @!p0 $0xF7A, s2;
	p2 =	seq.s32 @!p0 s5, $0x0  }
0x1f: {  	s9 =	smul.u32 $0xF7A, s1;
	s8 =	simm.s32 @!p0 $0x1BF5;
	p2 =	por !p2, p0  }
0x20: {  	[sflag:s8] =	ssyncset.s32 @!p0 $0xFFFFF086;
	s6 =	sadd.s32 @!p0 s3, s7;
	s7 =	simm.s32 @!p0 $0x108  }
0x21: {  	s3 =	sadd.s32 s3, s9;
	s6 =	sadd.s32 @!p0 $0x88, s6;
	s7 =	simm.s32 @p2 $0x1082  }
0x22: {  	[simem:s7], [sflag:s8] =	dma.local @!p0 [hbm:s6], $0xF7A  }
0x23: {  	s9 =	sor.u32 $0xD0000000, s2;
	s6 =	simm.s32 $0x108;
	_ =	swait.ge @!p0 [sflag:s8], $0x0  }
0x24: {  	s3 =	sadd.s32 $0x88, s3;
	s6 =	simm.s32 @!p1 $0x1082;
	[sflag:s4] =	ssyncset.s32 $0xFFFFF086  }
0x25: {  	[simem:s6], [sflag:s4] =	dma.local [hbm:s3], $0xF7A  }
0x26: {  	[smem:$0x3F9E] =	sst s1;
	(tag) =	ssettag s2;
	_ =	strace s9  }
0x27: {  	s1 =	sld [smem:$0x3FAE]  }
0x28: {  	s2 =	sld [smem:$0x3FAF]  }
0x29: {  	s4 =	sld [smem:$0x3FB1]  }
0x2a: {  	p0 =	seq.s32 s5, $0x0;
	s5 =	sld [smem:$0x3FB2]  }
0x2b: {  	s6 =	sld [smem:$0x3FB3]  }
0x2c: {  	s7 =	sld [smem:$0x3FB4]  }
0x2d: {  	s3 =	simm.s32 $0x108;
	s8 =	sld [smem:$0x3FB5]  }
0x2e: {  	s3 =	simm.s32 @!p0 $0x1082;
	s9 =	sld [smem:$0x3FB6]  }
0x2f: {  	lr =	sadd.s32 s0, s3;
	s0 =	sld [smem:$0x3FAD]  }
0x30: {  	s3 =	sld [smem:$0x3FB0]  }
0x31: {  	[smem:$0x3FB9] =	sst s10  }
0x32: {  	s10 =	sld [smem:$0x3FB7];
	_ =	sdelay $0x3  }
0x33: {  	p0 =	seq.s32 s10, $0x1;
	s10 =	sld [smem:$0x3FB9];
	_ =	sdelay $0x3  }
0x34: {  	[smem:$0x3FB9] =	sst s10  }
0x35: {  	s10 =	sld [smem:$0x3FB8];
	_ =	sdelay $0x3  }
0x36: {  	p1 =	seq.s32 s10, $0x1;
	s10 =	sld [smem:$0x3FB9];
	_ =	sdelay $0x3  }
0x37: {  	[smem:$0x3FB9] =	sst s10  }
0x38: {  	s10 =	sld [smem:$0x3FBA]  }
0x39: {  	_ = 	snop;
	(pc) =	sbr.ind lr, $3  }
0x3a: {  	_ = 	snop  }
0x3b: {  	_ = 	snop  }
0x3c: {  	p2 =	seq.s32 s10, $0x1;
	s10 =	sld [smem:$0x3FB9]  }
0x3d: {  	_ =	shalt  }
0x3e: {  	_ =	shalt  }
0x3f: {  	_ =	shalt  }
0x40: {  	_ =	shalt  }
0x41: {  	_ =	shalt  }
0x42: {  	_ =	shalt  }
0x43: {  	_ =	shalt  }
0x44: {  	_ =	shalt  }
0x45: {  	_ =	shalt  }
0x46: {  	_ =	shalt  }
0x47: {  	_ =	shalt  }
0x48: {  	_ =	shalt  }
0x49: {  	_ =	shalt  }
0x4a: {  	_ =	shalt  }
0x4b: {  	_ =	shalt  }
0x4c: {  	_ =	shalt  }
0x4d: {  	_ =	shalt  }
0x4e: {  	_ =	shalt  }
0x4f: {  	_ =	shalt  }
0x50: {  	_ =	shalt  }
0x51: {  	_ =	shalt  }
0x52: {  	_ =	shalt  }
0x53: {  	_ =	shalt  }
0x54: {  	_ =	shalt  }
0x55: {  	_ =	shalt  }
0x56: {  	_ =	shalt  }
0x57: {  	_ =	shalt  }
0x58: {  	_ =	shalt  }
0x59: {  	_ =	shalt  }
0x5a: {  	_ =	shalt  }
0x5b: {  	_ =	shalt  }
0x5c: {  	_ =	shalt  }
0x5d: {  	_ =	shalt  }
0x5e: {  	_ =	shalt  }
0x5f: {  	_ =	shalt  }
0x60: {  	_ =	shalt  }
0x61: {  	_ =	shalt  }
0x62: {  	_ =	shalt  }
0x63: {  	_ =	shalt  }
0x64: {  	_ =	shalt  }
0x65: {  	_ =	shalt  }
0x66: {  	_ =	shalt  }
0x67: {  	_ =	shalt  }
0x68: {  	_ =	shalt  }
0x69: {  	_ =	shalt  }
0x6a: {  	_ =	shalt  }
0x6b: {  	_ =	shalt  }
0x6c: {  	_ =	shalt  }
0x6d: {  	_ =	shalt  }
0x6e: {  	_ =	shalt  }
0x6f: {  	_ =	shalt  }
0x70: {  	_ =	shalt  }
0x71: {  	_ =	shalt  }
0x72: {  	_ =	shalt  }
0x73: {  	_ =	shalt  }
0x74: {  	_ =	shalt  }
0x75: {  	_ =	shalt  }
0x76: {  	_ =	shalt  }
0x77: {  	_ =	shalt  }
0x78: {  	_ =	shalt  }
0x79: {  	_ =	shalt  }
0x7a: {  	_ =	shalt  }
0x7b: {  	_ =	shalt  }
0x7c: {  	_ =	shalt  }
0x7d: {  	_ =	shalt  }
0x7e: {  	_ =	shalt  }
0x7f: {  	_ =	shalt  }
0x80: {  	_ =	shalt  }
0x81: {  	_ =	shalt  }
0x82: {  	_ =	shalt  }
0x83: {  	_ =	shalt  }
0x84: {  	_ =	shalt  }
0x85: {  	_ =	shalt  }
0x86: {  	_ =	shalt  }
0x87: {  	_ =	shalt  }
.Lfunc_end0:
.L_simem_size_0:
called_computation_lowered:
.L_overlay_start_0:
0x88: {  	s2 =	sld [smem:$0x3FD9]  }
0x89: {  	s3 =	sld [smem:$0x3FFE];
	_ =	sdelay $0x1  }
0x8a: {  	s1 =	srdreg.scid  }
0x8b: {  	s0 =	sand.u32 $0x1, s1  }
0x8c: {  	s17 =	sshll.u32 s0, $0xA;
	s2 =	sadd.s32 s3, s2  }
0x8d: {  	s2 =	sadd.s32 s2, s17  }
0x8e: {  	[smem:$0x3FC5] =	sst s2  }
0x8f: {  	_ = 	snop  }
0x90: {  	s2 =	sld [smem:$0x3FC8]  }
0x91: {  	s18 =	sld [smem:$0x3FC7]  }
0x92: {  	s4 =	sld [smem:$0x3FD0];
	(tm) =	ssettm $0x1  }
0x93: {  	s5 =	sld [smem:$0x3FFB];
	_ =	sdelay $0x3  }
0x94: {  	_ =	strace s5  }
0x95: {  	s5 =	sld [smem:$0x3FFC];
	_ =	sdelay $0x3  }
0x96: {  	_ =	strace s5  }
0x97: {  	s5 =	sld [smem:$0x3FFD];
	_ =	sdelay $0x3  }
0x98: {  	_ =	strace s5  }
0x99: {  	_ =	strace $0x8FFFFFFF  }
0x9a: {  	s19 =	sld [smem:$0x3FDB];
	_ =	sdelay $0x1  }
0x9b: {  	s6 =	simm.s32 $_scs_section_size  }
0x9c: {  	s7 =	simm.s32 $_size__tile_overlayer_lowered;
	s8 =	simm.s32 $_tile_overlayer_lowered  }
0x9d: {  	s22 =	simm.s32 $0x1BFF;
	s21 =	sshll.u32 s8, $0x1;
	s5 =	sadd.s32 s6, s19  }
0x9e: {  	s9 =	simm.s32 $0x0;
	s20 =	sshll.u32 s7, $0x1;
	s7 =	sadd.s32 s21, s5  }
0x9f: {  	[timem:s9], [sflag:s22] =	dma.local [hbm:s7], s20  }
0xa0: {  	_ =	swait.ge [sflag:s22], s20  }
0xa1: {  	s6 =	ssub.s32 $0x0, s20;
	[sflag:s22] =	ssyncset.done $0x0  }
0xa2: {  	[sflag:s22] =	ssyncadd.s32 s6;
	_ =	sdelay $0x1  }
0xa3: {  	s23 =	simm.s32 $0x1B8B  }
0xa4: {  	_ =	swait.ge [sflag:s23], $0x1  }
0xa5: {  	[sflag:s23] =	ssyncset.done $0x0  }
0xa6: {  	s25 =	simm.s32 $0x1B8E;
	s24 =	sld [smem:$0x3FFE];
	[sflag:s23] =	ssyncadd.s32 $0xFFFFFFFF  }
0xa7: {  	s26 =	simm.s32 $execute0_lowered;
	[smem:$0x3FD2] =	sst s25  }
0xa8: {  	s7 =	sshll.u32 s26, $0x1;
	_ =	strace $0x80000046;
	[dreg:$0x1] =	wrdreg $0xFFFFFFFF  }
0xa9: {  	s28 =	simm.s32 $_size_execute0_lowered;
	s5 =	sadd.s32 s5, s7;
	[dreg:$0x0] =	wrdreg $0x0  }
0xaa: {  	s7 =	sshll.u32 s28, $0x1;
	[dreg:$0x2] =	wrdreg s5  }
0xab: {  	[dreg:$0x3] =	wrdreg s7  }
0xac: {  	[dreg:$0x4] =	wrdreg $0xC0  }
0xad: {  	_ =	task [dreg:s9], $0x5FFFF  }
0xae: {  	[dreg:$0x1] =	wrdreg $0xFFFFFFFF  }
0xaf: {  	[dreg:$0x0] =	wrdreg $0x60  }
0xb0: {  	[dreg:$0x2] =	wrdreg s4  }
0xb1: {  	[dreg:$0x3] =	wrdreg s2  }
0xb2: {  	[dreg:$0x4] =	wrdreg s18  }
0xb3: {  	[dreg:$0x5] =	wrdreg s24  }
0xb4: {  	[dreg:$0x6] =	wrdreg $0x5FE00  }
0xb5: {  	[dreg:$0x7] =	wrdreg $0x9  }
0xb6: {  	_ =	task.clear_ibuf [dreg:s9], $0x8FFFF;
	_ =	strace $0x90000046  }
0xb7: {  	s29 =	simm.s32 $0x9;
	_ =	strace $0x80000048  }
0xb8: {  	_ =	swait.ge [sflag:s29], $0x1  }
0xb9: {  	[sflag:s29] =	ssyncadd.s32 $0xFFFFFFFF  }
0xba: {  	_ =	strace $0x90000048  }
0xbb: {  	_ =	sfence  }
0xbc: {  	s30 =	sld [smem:$0x0];
	_ =	sdelay $0x2  }
0xbd: {  	s31 =	sshll.u32 s1, $0xD;
	s1 =	sshrl.u32 s1, $0x2  }
0xbe: {  	s3 =	sand.u32 $0x4000, s31;
	s1 =	sadd.s32 s1, s30  }
0xbf: {  	s0 =	sor.u32 s3, s0;
	s1 =	sshll.u32 s1, $0x11  }
0xc0: {  	s0 =	sor.u32 s1, s0  }
0xc1: {  	s0 =	sadd.s32 $0x8F2B, s0  }
0xc2: {  	[sflag:s0] =	ssyncadd.remote.s32 $0x1  }
0xc3: {  	_ =	sfence.sel $0xFFFF  }
0xc4: {  	[dreg:$0x0] =	wrdreg $0xFFFFFFFF;
	(pc) =	sbr.abs _section_cstart, $3  }
0xc5: {  	[dreg:$0x1] =	wrdreg $0xFFFFFFFF  }
0xc6: {  	_ =	task.clear_ibuf [dreg:s9], $0x2FFFF;
	_ =	strace $0x9FFFFFFF  }
0xc7: {  	(tm) =	ssettm $0x7FFFFFFF  }
tec
execute0_lowered:
.L_overlay_start_1:
0x0: {  	(tag) =	ssettag $0x1  }
0x1: {  	s1 =	rddreg [dreg:$0x0]  }
0x2: {  	s2 =	rddreg [dreg:$0x1]  }
0x3: {  	s3 =	rddreg [dreg:$0x2]  }
0x4: {  	s0 =	rddreg [dreg:$0x3]  }
0x5: {  	s4 =	rddreg [dreg:$0x4]  }
0x6: {  	s6 =	simm.s32 $0x0;
	s5 =	srdreg.scid;
	s17 =	stileid.u32  }
0x7: {  	s30 =	simm.s32 $0xEA0;
	s28 =	simm.s32 $0x50;
	s7 =	smul.u32 $0xC350, s17  }
0x8: {  	s29 =	simm.s32 $0xFE0;
	s31 =	simm.s32 $0xE50;
	s10 =	smul.u32 $0x620, s17  }
0x9: {  	[smem:$0x7FF] =	sst s6;
	s5 =	sand.u32 $0x1, s5;
	s12 =	smul.u32 $0x61A80, s17  }
0xa: {  	s0 =	sadd.s32 $0x400, s0;
	s15 =	smul.u32 $0x62000, s17;
	p0 =	seq.s32 s17, $0xF  }
0xb: {  	s17 =	simm.s32 $0x8;
	s8 =	ssub.s32 $0x2, s5;
	s16 =	smul.u32 $0x61A8, s5  }
0xc: {  	_ =	strace $0x80000047;
	s5 =	smul.u32 $0x186A00, s5;
	s9 =	sshrl.u32 s8, $0x1  }
0xd: {  	s18 =	sshrl.u32 s7, $0x3;
	s12 =	sadd.s32 s2, s12;
	s21 =	sadd.s32 $0xC300, s7  }
0xe: {  	s14 =	sadd.s32 $0xF0, s7;
	s24 =	sshrl.u32 s15, $0x2;
	s15 =	simm.s32 $0xF90  }
0xf: {  	s11 =	ssub.s32 s8, s9;
	s8 =	sadd.s32 s3, s18;
	s9 =	sadd.s32 $0x50, s7  }
0x10: {  	[dreg:$0x8] =	wrdreg s12;
	s22 =	sshrl.u32 s21, $0x3;
	s10 =	sadd.s32 s10, s16  }
0x11: {  	s5 =	sshrl.u32 s5, $0x3;
	v0 =	vmov s16;
	s16 =	simm.s32 $0x7;
	s18 =	simm.s32 $0x0  }
0x12: {  	s13 =	sadd.s32 $0x186A0, s8;
	s19 =	sshrl.u32 s9, $0x3;
	s20 =	sadd.s32 $0x186AA, s8  }
0x13: {  	[dreg:$0x6] =	wrdreg s8;
	s8 =	sadd.s32 $0x19F00, s8;
	s10 =	sshll.u32 s10, $0x3  }
0x14: {  	s26 =	smax.u32 s11, $0x1;
	s11 =	simm.s32 $0x3;
	[dreg:$0x7] =	wrdreg s13  }
0x15: {  	s12 =	sadd.s32 s3, s19;
	[dreg:$0xa] =	wrdreg s20;
	s13 =	sadd.s32 s3, s22  }
0x16: {  	[dreg:$0xc] =	wrdreg s8;
	s25 =	sadd.s32 s0, s10;
	s19 =	sadd.s32 s24, s4  }
0x17: {  	s0 =	sadd.s32 s0, s5;
	[dreg:$0x10] =	wrdreg s26;
	s22 =	simm.s32 $0x9  }
0x18: {  	s26 =	simm.s32 $0x1;
	s5 =	simm.s32 $0x23E0;
	[dreg:$0x9] =	wrdreg s12  }
0x19: {  	s10 =	simm.s32 $0x4BE0;
	[dreg:$0xb] =	wrdreg s13;
	s12 =	sshll.u32 s21, $0x3  }
0x1a: {  	[dreg:$0xe] =	wrdreg s25;
	s0 =	sadd.s32 $0x2DF00, s0;
	s13 =	simm.s32 $0xF40  }
0x1b: {  	s23 =	sadd.s32 s2, s12;
	[dreg:$0xf] =	wrdreg s0;
	s0 =	sadd.s32 $0x16F800, s4  }
0x1c: {  	s12 =	simm.s32 $0x5;
	[dreg:$0xd] =	wrdreg s23;
	s0 =	sshrl.u32 @p0 s0, $0x3  }
0x1d: {  	v1 =	vimm.f32 $0.0e+00;
	s23 =	simm.s32 $0xE00;
	[dreg:$0x11] =	wrdreg s0;
	s0 =	simm.s32 $0x2  }
.LBB2_1:
0x1e: {  	s20 =	simm.s32 $0x0;
	s21 =	simm.s32 $0x0  }
.LBB2_2:
0x1f: {  	p1 =	sne.s32 s21, $0x37C0  }
.Ltmp0:
0x20: {  	_ = 	snop;
	(pc) =	sbr.rel @p1 .LBB2_2-.Ltmp0, $4  }
0x21: {  	s24 =	sand.u32 $0x3F00, s21  }
0x22: {  	s25 =	sand.u32 $0x30, s20;
	s24 =	sshrl.u32 s24, $0x2  }
0x23: {  	s24 =	sor.u32 s25, s24  }
0x24: {  	s20 =	sadd.s32 $0x10, s20;
	s21 =	sadd.s32 $0x40, s21;
	[tilespmem:s24+$0x0] =	vst v1  }
0x25: {  	s20 =	sadd.s32 $0x0, s19  }
0x26: {  	[spmem:s20] =	stream.linear.scatter [tilespmem:s6], [sflag:$0x9], $0xE00, $0x38;
	[tilespmem:$0x1E7E0] =	vst v63  }
0x27: {  	s20 =	simm.s32 $0x3800;
	_ =	swait.ge [sflag:s22], $0xE00  }
.LBB2_4:
0x28: {  	s21 =	sshra.s32 s20, $0x2;
	[sflag:s22] =	ssyncset.done $0x0;
	p1 =	sne.s32 s20, $0x5E800  }
.Ltmp1:
0x29: {  	s21 =	sadd.s32 s21, s19;
	[sflag:s22] =	ssyncadd.s32 $0xFFFFF200;
	(pc) =	sbr.rel @p1 .LBB2_4-.Ltmp1, $3  }
0x2a: {  	[spmem:s21] =	stream.linear.scatter [tilespmem:s6], [sflag:$0x9], $0xE00, $0x38;
	[tilespmem:$0x1E7E0] =	vst v63  }
0x2b: {  	s20 =	sadd.s32 $0x3800, s20;
	_ =	sdelay $0x1  }
0x2c: {  	_ =	swait.ge [sflag:s22], $0xE00  }
0x2d: {  	[sflag:s22] =	ssyncset.done $0x0  }
0x2e: {  	[sflag:s22] =	ssyncadd.s32 $0xFFFFF200  }
0x2f: {  	[bflag:$0x0] =	sbarrier.arrive $0xFFFF  }
0x30: {  	s25 =	simm.s32 $0x0;
	s8 =	rddreg [dreg:$0x6]  }
0x31: {  	[tilespmem:s23], [sflag:$0x1] =	stream.linear.gather [hbm4b:s8+s25], $0x50, $0x38;
	[tilespmem:$0x1E7E0] =	vst v63  }
0x32: {  	s24 =	rddreg [dreg:$0x7]  }
0x33: {  	[tilespmem:s30], [sflag:$0x1] =	stream.linear.gather [hbm4b:s24+s25], $0x50, $0x38;
	[tilespmem:$0x1E7E0] =	vst v63  }
0x34: {  	_ =	swait.ge [sflag:s26], $0x50  }
0x35: {  	[sflag:s26] =	ssyncset.done $0x0  }
0x36: {  	[sflag:s26] =	ssyncadd.s32 $0xFFFFFFB0  }
0x37: {  	_ =	swait.ge [sflag:s26], $0x50  }
0x38: {  	[sflag:s26] =	ssyncset.done $0x0  }
0x39: {  	[sflag:s26] =	ssyncadd.s32 $0xFFFFFFB0  }
0x3a: {  	[tilespmem:s29], [sflag:$0x3] =	stream.indirect.gather [hbm4b:s1+s28], $0x40, s23, s28, $0xb8;
	[tilespmem:$0x1E7E0] =	vst v63  }
0x3b: {  	s20 =	simm.s32 $0x37E0;
	s30 =	rddreg [dreg:$0x8]  }
0x3c: {  	[tilespmem:s20], [sflag:$0x5] =	stream.linear.gather [hbm4b:s30+s25], $0x1400, $0x38;
	[tilespmem:$0x1E7E0] =	vst v63  }
0x3d: {  	s21 =	rddreg [dreg:$0x9]  }
0x3e: {  	[tilespmem:s31], [sflag:$0x2] =	stream.linear.gather [hbm4b:s21+s25], $0x50, $0x38;
	[tilespmem:$0x1E7E0] =	vst v63  }
0x3f: {  	s24 =	rddreg [dreg:$0xa];
	s30 =	simm.s32 $0xEF0  }
0x40: {  	[tilespmem:s30], [sflag:$0x2] =	stream.linear.gather [hbm4b:s24+s25], $0x50, $0x38;
	[tilespmem:$0x1E7E0] =	vst v63  }
.LBB2_6:
0x41: {  	v2 =	vld [tilespmem:$0xEA0]  }
0x42: {  	v3 =	vld [tilespmem:$0xEB0]  }
0x43: {  	v4 =	vld [tilespmem:$0xEC0]  }
0x44: {  	v5 =	vld [tilespmem:$0xED0]  }
0x45: {  	v6 =	vld [tilespmem:$0xEE0]  }
0x46: {  	v2 =	vsub.s32 v2, v0  }
0x47: {  	v3 =	vsub.s32 v3, v0;
	v2 =	vmin.u32 v2, $0x61A8  }
0x48: {  	[tilespmem:$0xF40] =	vst v2;
	v2 =	vmin.u32 v3, $0x61A8;
	v3 =	vsub.s32 v4, v0  }
0x49: {  	[tilespmem:$0xF50] =	vst v2;
	v2 =	vmin.u32 v3, $0x61A8;
	v3 =	vsub.s32 v5, v0  }
0x4a: {  	[tilespmem:$0xF60] =	vst v2;
	v2 =	vmin.u32 v3, $0x61A8;
	v3 =	vsub.s32 v6, v0  }
0x4b: {  	p1 =	seq.s32 s25, $0x0;
	[tilespmem:$0xF70] =	vst v2;
	v2 =	vmin.u32 v3, $0x61A8  }
0x4c: {  	s20 =	simm.s32 @!p1 $0x8;
	[tilespmem:$0xF80] =	vst v2  }
0x4d: {  	_ =	swait.ge @!p1 [sflag:s20], $0x1400  }
0x4e: {  	[sflag:s20] =	ssyncset.done @!p1 $0x0  }
0x4f: {  	[sflag:s20] =	ssyncadd.s32 @!p1 $0xFFFFEC00  }
0x50: {  	_ =	swait.ge [sflag:s0], $0x50  }
0x51: {  	[sflag:s0] =	ssyncset.done $0x0  }
0x52: {  	s20 =	smul.u32 $0xA0, s25;
	[sflag:s0] =	ssyncadd.s32 $0xFFFFFFB0  }
0x53: {  	_ =	swait.ge [sflag:s0], $0x50  }
0x54: {  	s21 =	sadd.s32 s20, s9;
	[sflag:s0] =	ssyncset.done $0x0  }
0x55: {  	s21 =	sshll.u32 s21, $0x3;
	[sflag:s0] =	ssyncadd.s32 $0xFFFFFFB0  }
0x56: {  	[tilespmem:s5], [sflag:$0x4] =	stream.indirect.gather [hbm4b:s1+s28], $0x40, s31, s28, $0xb8;
	[tilespmem:$0x1E7E0] =	vst v63  }
0x57: {  	s24 =	sshll.u32 s25, $0x1;
	s21 =	sadd.s32 s2, s21  }
0x58: {  	[tilespmem:s10], [sflag:$0x6] =	stream.linear.gather [hbm4b:s21+s6], $0x1400, $0x38;
	[tilespmem:$0x1E7E0] =	vst v63  }
0x59: {  	p1 =	seq.s32 s25, $0x137;
	s21 =	sadd.s32 $0x2, s24;
	_ =	swait.ge [sflag:s11], $0x1400  }
0x5a: {  	s21 =	smul.u32 @!p1 $0x50, s21;
	[sflag:s11] =	ssyncset.done $0x0  }
0x5b: {  	[sflag:s11] =	ssyncadd.s32 $0xFFFFEC00  }
0x5c: {  	s30 =	sadd.s32 @!p1 s7, s21;
	_ =	swait.ge [sflag:s12], $0x1400  }
0x5d: {  	s8 =	simm.s32 @!p1 $0xE00;
	s21 =	sshrl.u32 @!p1 s30, $0x3;
	[sflag:s12] =	ssyncset.done $0x0  }
0x5e: {  	s24 =	simm.s32 @!p1 $0x0;
	s21 =	sadd.s32 @!p1 s3, s21;
	[sflag:s12] =	ssyncadd.s32 $0xFFFFEC00  }
0x5f: {  	[tilespmem:s8], [sflag:$0x1] =	stream.linear.gather @!p1 [hbm4b:s21+s24], $0x50, $0x38;
	[tilespmem:$0x1E7E0] =	vst v63  }
0x60: {  	s8 =	sadd.s32 @!p1 $0x186A0, s21;
	s21 =	simm.s32 @!p1 $0xEA0  }
0x61: {  	[tilespmem:s21], [sflag:$0x1] =	stream.linear.gather @!p1 [hbm4b:s8+s24], $0x50, $0x38;
	[tilespmem:$0x1E7E0] =	vst v63  }
0x62: {  	s21 =	simm.s32 $0x0  }
0x63: {  	v8 =	vld [tilespmem:s21+$0x37E0]  }
0x64: {  	v13 =	vld [tilespmem:s21+$0x37F0]  }
0x65: {  	v7 =	vld [tilespmem:s21+$0x3800]  }
0x66: {  	v6 =	vld [tilespmem:s21+$0x3810]  }
0x67: {  	v5 =	vld [tilespmem:s21+$0x3820]  }
0x68: {  	v4 =	vld [tilespmem:s21+$0x3830]  }
0x69: {  	v3 =	vld [tilespmem:s21+$0x3840]  }
0x6a: {  	v2 =	vld [tilespmem:s21+$0x3850]  }
0x6b: {  	v14 =	vld [tilespmem:s21+$0xFE0]  }
0x6c: {  	v15 =	vld [tilespmem:s21+$0xFF0]  }
0x6d: {  	v12 =	vld [tilespmem:s21+$0x1000]  }
0x6e: {  	v11 =	vld [tilespmem:s21+$0x1010]  }
0x6f: {  	v10 =	vld [tilespmem:s21+$0x1020]  }
0x70: {  	v9 =	vld [tilespmem:s21+$0x1030];
	v14 =	vadd.f32 v8, v14  }
0x71: {  	s24 =	simm.s32 $0x200;
	v13 =	vadd.f32 v13, v15;
	v8 =	vld [tilespmem:s21+$0x1040]  }
.LBB2_7:
0x72: {  	s8 =	sshra.s32 s24, $0x2;
	p2 =	sne.s32 s24, $0x4E00;
	v14 =	vmax.f32 v14, $0.0e+00;
	v7 =	vadd.f32 v7, v12;
	v12 =	vld [tilespmem:s21+$0x1050]  }
0x73: {  	v15 =	vld [tilespmem:s8+$0x37E0];
	[tilespmem:s21+$0xFE0] =	vst v14;
	v13 =	vmax.f32 v13, $0.0e+00;
	v6 =	vadd.f32 v6, v11  }
0x74: {  	v16 =	vld [tilespmem:s8+$0x37F0];
	[tilespmem:s21+$0xFF0] =	vst v13;
	v11 =	vmax.f32 v7, $0.0e+00;
	v5 =	vadd.f32 v5, v10  }
0x75: {  	v7 =	vld [tilespmem:s8+$0x3800];
	[tilespmem:s21+$0x1000] =	vst v11;
	v10 =	vmax.f32 v6, $0.0e+00;
	v4 =	vadd.f32 v4, v9  }
0x76: {  	v6 =	vld [tilespmem:s8+$0x3810];
	[tilespmem:s21+$0x1010] =	vst v10;
	v9 =	vmax.f32 v5, $0.0e+00;
	v3 =	vadd.f32 v3, v8  }
0x77: {  	v5 =	vld [tilespmem:s8+$0x3820];
	[tilespmem:s21+$0x1020] =	vst v9;
	v8 =	vmax.f32 v4, $0.0e+00;
	v2 =	vadd.f32 v2, v12  }
0x78: {  	v4 =	vld [tilespmem:s8+$0x3830];
	[tilespmem:s21+$0x1030] =	vst v8;
	v8 =	vmax.f32 v3, $0.0e+00  }
0x79: {  	v3 =	vld [tilespmem:s8+$0x3840];
	[tilespmem:s21+$0x1040] =	vst v8;
	v8 =	vmax.f32 v2, $0.0e+00  }
0x7a: {  	v2 =	vld [tilespmem:s8+$0x3850];
	[tilespmem:s21+$0x1050] =	vst v8;
	s21 =	smov.u32 s8  }
0x7b: {  	v8 =	vld [tilespmem:s21+$0xFE0]  }
0x7c: {  	v13 =	vld [tilespmem:s21+$0xFF0]  }
.Ltmp2:
0x7d: {  	v12 =	vld [tilespmem:s21+$0x1000];
	(pc) =	sbr.rel @p2 .LBB2_7-.Ltmp2, $4  }
0x7e: {  	v11 =	vld [tilespmem:s21+$0x1010]  }
0x7f: {  	v10 =	vld [tilespmem:s21+$0x1020]  }
0x80: {  	v14 =	vadd.f32 v15, v8;
	v9 =	vld [tilespmem:s21+$0x1030]  }
0x81: {  	s24 =	sadd.s32 $0x200, s24;
	v13 =	vadd.f32 v16, v13;
	v8 =	vld [tilespmem:s21+$0x1040]  }
0x82: {  	v14 =	vmax.f32 v14, $0.0e+00;
	v7 =	vadd.f32 v7, v12;
	v12 =	vld [tilespmem:s21+$0x1050]  }
0x83: {  	[tilespmem:s21+$0xFE0] =	vst v14;
	v13 =	vmax.f32 v13, $0.0e+00;
	v6 =	vadd.f32 v6, v11  }
0x84: {  	[tilespmem:s21+$0xFF0] =	vst v13;
	v7 =	vmax.f32 v7, $0.0e+00;
	v5 =	vadd.f32 v5, v10  }
0x85: {  	[tilespmem:s21+$0x1000] =	vst v7;
	v6 =	vmax.f32 v6, $0.0e+00;
	v4 =	vadd.f32 v4, v9  }
0x86: {  	[tilespmem:s21+$0x1010] =	vst v6;
	v5 =	vmax.f32 v5, $0.0e+00;
	v3 =	vadd.f32 v3, v8  }
0x87: {  	[tilespmem:s21+$0x1020] =	vst v5;
	v4 =	vmax.f32 v4, $0.0e+00;
	v2 =	vadd.f32 v2, v12  }
0x88: {  	[tilespmem:s21+$0x1030] =	vst v4;
	v3 =	vmax.f32 v3, $0.0e+00  }
0x89: {  	[tilespmem:s21+$0x1040] =	vst v3;
	v2 =	vmax.f32 v2, $0.0e+00  }
0x8a: {  	[tilespmem:s21+$0x1050] =	vst v2  }
0x8b: {  	[spmem:s4] =	stream.indirect.scatter.add.f32 [tilespmem:s29], [sflag:$0x7], $0x40, s13, s28, $0xb8;
	[tilespmem:$0x1E7E0] =	vst v63  }
0x8c: {  	v2 =	vld [tilespmem:$0xEF0]  }
0x8d: {  	v3 =	vld [tilespmem:$0xF00]  }
0x8e: {  	v4 =	vld [tilespmem:$0xF10]  }
0x8f: {  	v5 =	vld [tilespmem:$0xF20]  }
0x90: {  	v6 =	vld [tilespmem:$0xF30]  }
0x91: {  	v2 =	vsub.s32 v2, v0  }
0x92: {  	v3 =	vsub.s32 v3, v0;
	v2 =	vmin.u32 v2, $0x61A8  }
0x93: {  	[tilespmem:$0xF90] =	vst v2;
	v2 =	vmin.u32 v3, $0x61A8;
	v3 =	vsub.s32 v4, v0  }
0x94: {  	[tilespmem:$0xFA0] =	vst v2;
	v2 =	vmin.u32 v3, $0x61A8;
	v3 =	vsub.s32 v5, v0  }
0x95: {  	[tilespmem:$0xFB0] =	vst v2;
	v2 =	vmin.u32 v3, $0x61A8;
	v3 =	vsub.s32 v6, v0  }
0x96: {  	[tilespmem:$0xFC0] =	vst v2;
	v2 =	vmin.u32 v3, $0x61A8  }
0x97: {  	s8 =	simm.s32 @p1 $0x4;
	[tilespmem:$0xFD0] =	vst v2  }
0x98: {  	_ =	swait.ge @p1 [sflag:s8], $0x1400  }
0x99: {  	[sflag:s8] =	ssyncset.done @p1 $0x0  }
0x9a: {  	[sflag:s8] =	ssyncadd.s32 @p1 $0xFFFFEC00;
	s8 =	simm.s32 @p1 $0x6  }
0x9b: {  	_ =	swait.ge @p1 [sflag:s8], $0x1400  }
0x9c: {  	[sflag:s8] =	ssyncset.done @p1 $0x0  }
0x9d: {  	[sflag:s8] =	ssyncadd.s32 @p1 $0xFFFFEC00;
	s8 =	simm.s32 @!p1 $0x7  }
0x9e: {  	_ =	swait.ge @!p1 [sflag:s8], $0x1400  }
0x9f: {  	[sflag:s8] =	ssyncset.done @!p1 $0x0  }
0xa0: {  	[sflag:s8] =	ssyncadd.s32 @!p1 $0xFFFFEC00;
	s8 =	simm.s32 @!p1 $0x1  }
0xa1: {  	_ =	swait.ge @!p1 [sflag:s8], $0x50  }
0xa2: {  	[sflag:s8] =	ssyncset.done @!p1 $0x0  }
0xa3: {  	[sflag:s8] =	ssyncadd.s32 @!p1 $0xFFFFFFB0  }
0xa4: {  	_ =	swait.ge @!p1 [sflag:s8], $0x50  }
0xa5: {  	s24 =	simm.s32 @!p1 $0xFE0;
	[sflag:s8] =	ssyncset.done @!p1 $0x0  }
0xa6: {  	s21 =	simm.s32 @!p1 $0xE00;
	[sflag:s8] =	ssyncadd.s32 @!p1 $0xFFFFFFB0;
	s8 =	simm.s32 @!p1 $0x50  }
0xa7: {  	[tilespmem:s24], [sflag:$0x3] =	stream.indirect.gather @!p1 [hbm4b:s1+s8], $0x40, s21, s8, $0xb8;
	[tilespmem:$0x1E7E0] =	vst v63  }
0xa8: {  	s8 =	sshll.u32 @!p1 s30, $0x3  }
0xa9: {  	s21 =	simm.s32 @!p1 $0x0;
	s24 =	simm.s32 @!p1 $0x37E0;
	s8 =	sadd.s32 @!p1 s2, s8  }
0xaa: {  	[tilespmem:s24], [sflag:$0x5] =	stream.linear.gather @!p1 [hbm4b:s8+s21], $0x1400, $0x38;
	[tilespmem:$0x1E7E0] =	vst v63  }
0xab: {  	s8 =	simm.s32 @!p1 $0x4  }
0xac: {  	_ =	swait.ge @!p1 [sflag:s8], $0x1400  }
0xad: {  	[sflag:s8] =	ssyncset.done @!p1 $0x0  }
0xae: {  	[sflag:s8] =	ssyncadd.s32 @!p1 $0xFFFFEC00;
	s8 =	simm.s32 @!p1 $0x6  }
0xaf: {  	s20 =	sadd.s32 @!p1 s20, s14;
	_ =	swait.ge @!p1 [sflag:s8], $0x1400  }
0xb0: {  	s20 =	sshrl.u32 @!p1 s20, $0x3;
	[sflag:s8] =	ssyncset.done @!p1 $0x0  }
0xb1: {  	[sflag:s8] =	ssyncadd.s32 @!p1 $0xFFFFEC00;
	s8 =	sadd.s32 @!p1 s3, s20;
	s20 =	simm.s32 @!p1 $0xE50  }
0xb2: {  	[tilespmem:s20], [sflag:$0x2] =	stream.linear.gather @!p1 [hbm4b:s8+s21], $0x50, $0x38;
	[tilespmem:$0x1E7E0] =	vst v63  }
0xb3: {  	s8 =	sadd.s32 @!p1 $0x186A0, s8;
	s20 =	simm.s32 @!p1 $0xEF0  }
0xb4: {  	[tilespmem:s20], [sflag:$0x2] =	stream.linear.gather @!p1 [hbm4b:s8+s21], $0x50, $0x38;
	[tilespmem:$0x1E7E0] =	vst v63  }
0xb5: {  	s20 =	simm.s32 $0x0  }
0xb6: {  	v8 =	vld [tilespmem:s20+$0x4BE0]  }
0xb7: {  	v13 =	vld [tilespmem:s20+$0x4BF0]  }
0xb8: {  	v7 =	vld [tilespmem:s20+$0x4C00]  }
0xb9: {  	v6 =	vld [tilespmem:s20+$0x4C10]  }
0xba: {  	v5 =	vld [tilespmem:s20+$0x4C20]  }
0xbb: {  	v4 =	vld [tilespmem:s20+$0x4C30]  }
0xbc: {  	v3 =	vld [tilespmem:s20+$0x4C40]  }
0xbd: {  	v2 =	vld [tilespmem:s20+$0x4C50]  }
0xbe: {  	v14 =	vld [tilespmem:s20+$0x23E0]  }
0xbf: {  	v15 =	vld [tilespmem:s20+$0x23F0]  }
0xc0: {  	v12 =	vld [tilespmem:s20+$0x2400]  }
0xc1: {  	v11 =	vld [tilespmem:s20+$0x2410]  }
0xc2: {  	v10 =	vld [tilespmem:s20+$0x2420]  }
0xc3: {  	v9 =	vld [tilespmem:s20+$0x2430];
	v14 =	vadd.f32 v8, v14  }
0xc4: {  	s21 =	simm.s32 $0x200;
	v13 =	vadd.f32 v13, v15;
	v8 =	vld [tilespmem:s20+$0x2440]  }
.LBB2_9:
0xc5: {  	s8 =	sshra.s32 s21, $0x2;
	p1 =	sne.s32 s21, $0x4E00;
	v14 =	vmax.f32 v14, $0.0e+00;
	v7 =	vadd.f32 v7, v12;
	v12 =	vld [tilespmem:s20+$0x2450]  }
0xc6: {  	v15 =	vld [tilespmem:s8+$0x4BE0];
	[tilespmem:s20+$0x23E0] =	vst v14;
	v13 =	vmax.f32 v13, $0.0e+00;
	v6 =	vadd.f32 v6, v11  }
0xc7: {  	v16 =	vld [tilespmem:s8+$0x4BF0];
	[tilespmem:s20+$0x23F0] =	vst v13;
	v11 =	vmax.f32 v7, $0.0e+00;
	v5 =	vadd.f32 v5, v10  }
0xc8: {  	v7 =	vld [tilespmem:s8+$0x4C00];
	[tilespmem:s20+$0x2400] =	vst v11;
	v10 =	vmax.f32 v6, $0.0e+00;
	v4 =	vadd.f32 v4, v9  }
0xc9: {  	v6 =	vld [tilespmem:s8+$0x4C10];
	[tilespmem:s20+$0x2410] =	vst v10;
	v9 =	vmax.f32 v5, $0.0e+00;
	v3 =	vadd.f32 v3, v8  }
0xca: {  	v5 =	vld [tilespmem:s8+$0x4C20];
	[tilespmem:s20+$0x2420] =	vst v9;
	v8 =	vmax.f32 v4, $0.0e+00;
	v2 =	vadd.f32 v2, v12  }
0xcb: {  	v4 =	vld [tilespmem:s8+$0x4C30];
	[tilespmem:s20+$0x2430] =	vst v8;
	v8 =	vmax.f32 v3, $0.0e+00  }
0xcc: {  	v3 =	vld [tilespmem:s8+$0x4C40];
	[tilespmem:s20+$0x2440] =	vst v8;
	v8 =	vmax.f32 v2, $0.0e+00  }
0xcd: {  	v2 =	vld [tilespmem:s8+$0x4C50];
	[tilespmem:s20+$0x2450] =	vst v8;
	s20 =	smov.u32 s8  }
0xce: {  	v8 =	vld [tilespmem:s20+$0x23E0]  }
0xcf: {  	v13 =	vld [tilespmem:s20+$0x23F0]  }
.Ltmp3:
0xd0: {  	v12 =	vld [tilespmem:s20+$0x2400];
	(pc) =	sbr.rel @p1 .LBB2_9-.Ltmp3, $4  }
0xd1: {  	v11 =	vld [tilespmem:s20+$0x2410]  }
0xd2: {  	v10 =	vld [tilespmem:s20+$0x2420]  }
0xd3: {  	v14 =	vadd.f32 v15, v8;
	v9 =	vld [tilespmem:s20+$0x2430]  }
0xd4: {  	s21 =	sadd.s32 $0x200, s21;
	v13 =	vadd.f32 v16, v13;
	v8 =	vld [tilespmem:s20+$0x2440]  }
0xd5: {  	v14 =	vmax.f32 v14, $0.0e+00;
	v7 =	vadd.f32 v7, v12;
	v63 =	vld [tilespmem:s20+$0x2450]  }
0xd6: {  	[tilespmem:s20+$0x23E0] =	vst v14;
	v13 =	vmax.f32 v13, $0.0e+00;
	v6 =	vadd.f32 v6, v11  }
0xd7: {  	[tilespmem:s20+$0x23F0] =	vst v13;
	v7 =	vmax.f32 v7, $0.0e+00;
	v5 =	vadd.f32 v5, v10  }
0xd8: {  	s25 =	sadd.s32 $0x1, s25;
	[tilespmem:s20+$0x2400] =	vst v7;
	v6 =	vmax.f32 v6, $0.0e+00;
	v4 =	vadd.f32 v4, v9  }
0xd9: {  	p1 =	sne.s32 s25, $0x138;
	[tilespmem:s20+$0x2410] =	vst v6;
	v5 =	vmax.f32 v5, $0.0e+00;
	v3 =	vadd.f32 v3, v8  }
.Ltmp4:
0xda: {  	[tilespmem:s20+$0x2420] =	vst v5;
	v4 =	vmax.f32 v4, $0.0e+00;
	v2 =	vadd.f32 v2, v63;
	(pc) =	sbr.rel @p1 .LBB2_6-.Ltmp4, $4  }
0xdb: {  	[tilespmem:s20+$0x2430] =	vst v4;
	v3 =	vmax.f32 v3, $0.0e+00  }
0xdc: {  	[tilespmem:s20+$0x2440] =	vst v3;
	v2 =	vmax.f32 v2, $0.0e+00  }
0xdd: {  	[tilespmem:s20+$0x2450] =	vst v2  }
0xde: {  	[spmem:s4] =	stream.indirect.scatter.add.f32 [tilespmem:s5], [sflag:$0x8], $0x40, s15, s28, $0xb8;
	[tilespmem:$0x1E7E0] =	vst v63  }
0xdf: {  	_ =	swait.ge [sflag:s16], $0x1400  }
0xe0: {  	[sflag:s16] =	ssyncset.done $0x0  }
0xe1: {  	[sflag:s16] =	ssyncadd.s32 $0xFFFFEC00  }
0xe2: {  	_ =	swait.ge [sflag:s17], $0x1400  }
0xe3: {  	[sflag:s17] =	ssyncset.done $0x0  }
0xe4: {  	s8 =	simm.s32 $0x0;
	s20 =	rddreg [dreg:$0xb];
	[sflag:s17] =	ssyncadd.s32 $0xFFFFEC00  }
0xe5: {  	[tilespmem:s23], [sflag:$0x9] =	stream.linear.gather [hbm4b:s20+s8], $0x50, $0x38;
	[tilespmem:$0x1E7E0] =	vst v63  }
0xe6: {  	_ =	swait.ge [sflag:s22], $0x50  }
0xe7: {  	[sflag:s22] =	ssyncset.done $0x0  }
0xe8: {  	[sflag:s22] =	ssyncadd.s32 $0xFFFFFFB0  }
0xe9: {  	[tilespmem:s29], [sflag:$0x3] =	stream.indirect.gather [hbm4b:s1+s28], $0x40, s23, s28, $0xb8;
	[tilespmem:$0x1E7E0] =	vst v63  }
0xea: {  	s30 =	simm.s32 $0xEA0;
	s24 =	rddreg [dreg:$0xc]  }
0xeb: {  	[tilespmem:s30], [sflag:$0x9] =	stream.linear.gather [hbm4b:s24+s8], $0x50, $0x38;
	[tilespmem:$0x1E7E0] =	vst v63  }
0xec: {  	_ =	swait.ge [sflag:s22], $0x50  }
0xed: {  	[sflag:s22] =	ssyncset.done $0x0  }
0xee: {  	s21 =	simm.s32 $0x37E0;
	s25 =	rddreg [dreg:$0xd];
	[sflag:s22] =	ssyncadd.s32 $0xFFFFFFB0  }
0xef: {  	[tilespmem:s21], [sflag:$0x9] =	stream.linear.gather [hbm4b:s25+s8], $0x1400, $0x38;
	[tilespmem:$0x1E7E0] =	vst v63  }
0xf0: {  	_ =	swait.ge [sflag:s22], $0x1400  }
0xf1: {  	[sflag:s22] =	ssyncset.done $0x0  }
0xf2: {  	[sflag:s22] =	ssyncadd.s32 $0xFFFFEC00  }
0xf3: {  	v2 =	vld [tilespmem:$0xEA0]  }
0xf4: {  	v3 =	vld [tilespmem:$0xEB0]  }
0xf5: {  	v4 =	vld [tilespmem:$0xEC0]  }
0xf6: {  	v5 =	vld [tilespmem:$0xED0]  }
0xf7: {  	v6 =	vld [tilespmem:$0xEE0]  }
0xf8: {  	v2 =	vsub.s32 v2, v0  }
0xf9: {  	v3 =	vsub.s32 v3, v0;
	v2 =	vmin.u32 v2, $0x61A8  }
0xfa: {  	[tilespmem:$0xF40] =	vst v2;
	v2 =	vmin.u32 v3, $0x61A8;
	v3 =	vsub.s32 v4, v0  }
0xfb: {  	[tilespmem:$0xF50] =	vst v2;
	v2 =	vmin.u32 v3, $0x61A8;
	v3 =	vsub.s32 v5, v0  }
0xfc: {  	[tilespmem:$0xF60] =	vst v2;
	v2 =	vmin.u32 v3, $0x61A8;
	v3 =	vsub.s32 v6, v0  }
0xfd: {  	[tilespmem:$0xF70] =	vst v2;
	v2 =	vmin.u32 v3, $0x61A8  }
0xfe: {  	[tilespmem:$0xF80] =	vst v2  }
0xff: {  	_ =	swait.ge [sflag:s11], $0x1400  }
0x100: {  	[sflag:s11] =	ssyncset.done $0x0  }
0x101: {  	s20 =	simm.s32 $0x0;
	[sflag:s11] =	ssyncadd.s32 $0xFFFFEC00  }
0x102: {  	v8 =	vld [tilespmem:s20+$0x37E0]  }
0x103: {  	v13 =	vld [tilespmem:s20+$0x37F0]  }
0x104: {  	v7 =	vld [tilespmem:s20+$0x3800]  }
0x105: {  	v6 =	vld [tilespmem:s20+$0x3810]  }
0x106: {  	v5 =	vld [tilespmem:s20+$0x3820]  }
0x107: {  	v4 =	vld [tilespmem:s20+$0x3830]  }
0x108: {  	v3 =	vld [tilespmem:s20+$0x3840]  }
0x109: {  	v2 =	vld [tilespmem:s20+$0x3850]  }
0x10a: {  	v14 =	vld [tilespmem:s20+$0xFE0]  }
0x10b: {  	v15 =	vld [tilespmem:s20+$0xFF0]  }
0x10c: {  	v12 =	vld [tilespmem:s20+$0x1000]  }
0x10d: {  	v11 =	vld [tilespmem:s20+$0x1010]  }
0x10e: {  	v10 =	vld [tilespmem:s20+$0x1020]  }
0x10f: {  	v9 =	vld [tilespmem:s20+$0x1030];
	v14 =	vadd.f32 v8, v14  }
0x110: {  	s21 =	simm.s32 $0x200;
	v13 =	vadd.f32 v13, v15;
	v8 =	vld [tilespmem:s20+$0x1040]  }
.LBB2_12:
0x111: {  	s8 =	sshra.s32 s21, $0x2;
	p1 =	sne.s32 s21, $0x4E00;
	v14 =	vmax.f32 v14, $0.0e+00;
	v7 =	vadd.f32 v7, v12;
	v12 =	vld [tilespmem:s20+$0x1050]  }
0x112: {  	v15 =	vld [tilespmem:s8+$0x37E0];
	[tilespmem:s20+$0xFE0] =	vst v14;
	v13 =	vmax.f32 v13, $0.0e+00;
	v6 =	vadd.f32 v6, v11  }
0x113: {  	v16 =	vld [tilespmem:s8+$0x37F0];
	[tilespmem:s20+$0xFF0] =	vst v13;
	v11 =	vmax.f32 v7, $0.0e+00;
	v5 =	vadd.f32 v5, v10  }
0x114: {  	v7 =	vld [tilespmem:s8+$0x3800];
	[tilespmem:s20+$0x1000] =	vst v11;
	v10 =	vmax.f32 v6, $0.0e+00;
	v4 =	vadd.f32 v4, v9  }
0x115: {  	v6 =	vld [tilespmem:s8+$0x3810];
	[tilespmem:s20+$0x1010] =	vst v10;
	v9 =	vmax.f32 v5, $0.0e+00;
	v3 =	vadd.f32 v3, v8  }
0x116: {  	v5 =	vld [tilespmem:s8+$0x3820];
	[tilespmem:s20+$0x1020] =	vst v9;
	v8 =	vmax.f32 v4, $0.0e+00;
	v2 =	vadd.f32 v2, v12  }
0x117: {  	v4 =	vld [tilespmem:s8+$0x3830];
	[tilespmem:s20+$0x1030] =	vst v8;
	v8 =	vmax.f32 v3, $0.0e+00  }
0x118: {  	v3 =	vld [tilespmem:s8+$0x3840];
	[tilespmem:s20+$0x1040] =	vst v8;
	v8 =	vmax.f32 v2, $0.0e+00  }
0x119: {  	v2 =	vld [tilespmem:s8+$0x3850];
	[tilespmem:s20+$0x1050] =	vst v8;
	s20 =	smov.u32 s8  }
0x11a: {  	v8 =	vld [tilespmem:s20+$0xFE0]  }
0x11b: {  	v13 =	vld [tilespmem:s20+$0xFF0]  }
.Ltmp5:
0x11c: {  	v12 =	vld [tilespmem:s20+$0x1000];
	(pc) =	sbr.rel @p1 .LBB2_12-.Ltmp5, $4  }
0x11d: {  	v11 =	vld [tilespmem:s20+$0x1010]  }
0x11e: {  	v10 =	vld [tilespmem:s20+$0x1020]  }
0x11f: {  	v14 =	vadd.f32 v15, v8;
	v9 =	vld [tilespmem:s20+$0x1030]  }
0x120: {  	s21 =	sadd.s32 $0x200, s21;
	v13 =	vadd.f32 v16, v13;
	v8 =	vld [tilespmem:s20+$0x1040]  }
0x121: {  	v14 =	vmax.f32 v14, $0.0e+00;
	v7 =	vadd.f32 v7, v12;
	v63 =	vld [tilespmem:s20+$0x1050]  }
0x122: {  	[tilespmem:s20+$0xFE0] =	vst v14;
	v13 =	vmax.f32 v13, $0.0e+00;
	v6 =	vadd.f32 v6, v11  }
0x123: {  	[tilespmem:s20+$0xFF0] =	vst v13;
	v7 =	vmax.f32 v7, $0.0e+00;
	v5 =	vadd.f32 v5, v10  }
0x124: {  	[tilespmem:s20+$0x1000] =	vst v7;
	v6 =	vmax.f32 v6, $0.0e+00;
	v4 =	vadd.f32 v4, v9  }
0x125: {  	[tilespmem:s20+$0x1010] =	vst v6;
	v5 =	vmax.f32 v5, $0.0e+00;
	v3 =	vadd.f32 v3, v8  }
0x126: {  	[tilespmem:s20+$0x1020] =	vst v5;
	v4 =	vmax.f32 v4, $0.0e+00;
	v2 =	vadd.f32 v2, v63  }
0x127: {  	[tilespmem:s20+$0x1030] =	vst v4;
	v3 =	vmax.f32 v3, $0.0e+00  }
0x128: {  	[tilespmem:s20+$0x1040] =	vst v3;
	v2 =	vmax.f32 v2, $0.0e+00  }
0x129: {  	[tilespmem:s20+$0x1050] =	vst v2  }
0x12a: {  	[spmem:s4] =	stream.indirect.scatter.add.f32 [tilespmem:s29], [sflag:$0x9], $0x40, s13, s28, $0xb8;
	[tilespmem:$0x1E7E0] =	vst v63  }
0x12b: {  	_ =	swait.ge [sflag:s22], $0x1400  }
0x12c: {  	[sflag:s22] =	ssyncset.done $0x0  }
0x12d: {  	[sflag:s22] =	ssyncadd.s32 $0xFFFFEC00  }
0x12e: {  	[bflag:$0x0] =	sbarrier.arrive $0xFFFF  }
0x12f: {  	s20 =	rddreg [dreg:$0xf]  }
0x130: {  	s8 =	simm.s32 @p0 $0x1FC9;
	s21 =	rddreg [dreg:$0x11]  }
0x131: {  	[hbm:s20], [sflag:s8] =	dma.local @p0 [spmem:s21], $0x2E40  }
0x132: {  	s8 =	simm.s32 @p0 $0x9  }
0x133: {  	s20 =	stileid.u32;
	_ =	swait.ge @p0 [sflag:s8], $0x2E40  }
0x134: {  	s20 =	sshll.u32 @!p0 s20, $0x6;
	[sflag:s8] =	ssyncset.done @p0 $0x0;
	s21 =	rddreg [dreg:$0xe]  }
0x135: {  	[sflag:s8] =	ssyncadd.s32 @p0 $0xFFFFD1C0;
	s8 =	sor.u32 @!p0 $0x1C09, s20;
	s20 =	sshrl.u32 @!p0 s19, $0x3  }
0x136: {  	[hbm:s21], [sflag:s8] =	dma.local @!p0 [spmem:s20], $0x3100  }
0x137: {  	s8 =	simm.s32 @!p0 $0x9  }
0x138: {  	_ =	swait.ge @!p0 [sflag:s8], $0x3100  }
0x139: {  	s18 =	sadd.s32 $0x1, s18;
	s25 =	rddreg [dreg:$0x10]  }
0x13a: {  	p1 =	sne.s32 s18, s25  }
.Ltmp6:
0x13b: {  	_ = 	snop;
	(pc) =	sbr.rel @p1 .LBB2_1-.Ltmp6, $3  }
0x13c: {  	_ =	sdelay $0x1  }
0x13d: {  	[sflag:s8] =	ssyncset.done @!p0 $0x0  }
0x13e: {  	[sflag:s8] =	ssyncadd.s32 @!p0 $0xFFFFCF00  }
0x13f: {  	_ =	sfence.sel $0x180000  }
0x140: {  	[bflag:$0x0] =	sbarrier.arrive $0xFFFF  }
0x141: {  	_ =	strace $0x90000047  }
0x142: {  	s0 =	stileid.u32;
	[bflag:$0x2] =	sbarrier.arrive $0xFFFF  }
0x143: {  	p0 =	sne.s32 s0, $0x0;
	s0 =	rddreg [dreg:$0x5]  }
0x144: {  	s0 =	sadd.s32 @!p0 $0x100000, s0  }
0x145: {  	[sflag:s0] =	ssyncadd.tile.s32 @!p0 $0x1;
	_ =	shalt  }
.Lfunc_end2:
_tile_overlayer_lowered:
.L_overlay_start_2:
0x146: {  	(tag) =	ssettag $0x2  }
0x147: {  	s0 =	rddreg [dreg:$0x0];
	s2 =	stileid.u32  }
0x148: {  	s1 =	rddreg [dreg:$0x1];
	p0 =	sne.s32 s2, $0x0  }
0x149: {  	s3 =	rddreg [dreg:$0x2];
	[bflag:$0x3] =	sbarrier.arrive $0xFFFF;
	s2 =	simm.s32 @!p0 $0x1C09  }
0x14a: {  	[timem:s3], [sflag:s2] =	dma.local @!p0 [hbm:s0], s1  }
0x14b: {  	s0 =	simm.s32 @!p0 $0x9  }
0x14c: {  	_ =	swait.ge @!p0 [sflag:s0], s1  }
0x14d: {  	s1 =	ssub.s32 @!p0 $0x0, s1;
	[sflag:s0] =	ssyncset.done @!p0 $0x0  }
0x14e: {  	[sflag:s0] =	ssyncadd.s32 @!p0 s1  }
0x14f: {  	[bflag:$0x3] =	sbarrier.arrive $0xFFFF  }
0x150: {  	_ =	shalt  }

</sc_bundles>
